<compile_context>
chip_gen: v7x
topology: tpu7x:2x2x1
jax: 0.10.2.dev20260603
libtpu: 0.0.44.dev20260713+nightly
codegen_flags: <defaults>
</compile_context>

<pallas_src>
import functools

import jax
import jax.numpy as jnp
from jax import lax
from jax.experimental import pallas as pl
from jax.experimental.pallas import tpu as pltpu
from jax.experimental.pallas import tpu_sc as plsc

NUM_CLASSES = 5
BACKGROUND = 4
GAMMA = 2.0
ALPHA_BG = 0.25
CLASS_W = 2.0
PT_CONF_W = 1.0
PT_COORD_W = 5.0
PAD_VALUE = -10000.0

B, Q, G, P = 8, 512, 128, 64
N_PAIR = B * G
N_ROW = B * Q



def _sc_assemble(srcm, mgtm, conf_t, coord_t, gtpt_t, flags_t, cls_t):
    info = plsc.get_sparse_core_info()
    nc, ns = info.num_cores, info.num_subcores
    nw = nc * ns
    pts = P // (nw // B)
    mesh = plsc.VectorSubcoreMesh(core_axis_name="c", subcore_axis_name="s")

    @functools.partial(
        pl.kernel,
        mesh=mesh,
        compiler_params=pltpu.CompilerParams(needs_layout_passes=False,
                                             skip_device_barrier=True),
        out_type=[
            jax.ShapeDtypeStruct((P, N_PAIR), jnp.float32),
            jax.ShapeDtypeStruct((NUM_CLASSES, N_PAIR), jnp.float32),
            jax.ShapeDtypeStruct((nw * 16,), jnp.float32),
            jax.ShapeDtypeStruct((nw * 16,), jnp.float32),
        ],
        scratch_types=[
            pltpu.VMEM((B, G), jnp.int32),
            pltpu.VMEM((B, G), jnp.int32),
            pltpu.VMEM((pts, Q), jnp.float32),
            pltpu.VMEM((pts, G), jnp.int32),
            pltpu.VMEM((pts, 2, Q), jnp.float32),
            pltpu.VMEM((pts, 2, G), jnp.float32),
            pltpu.VMEM((NUM_CLASSES, Q), jnp.float32),
            pltpu.VMEM((pts, G), jnp.float32),
            pltpu.VMEM((NUM_CLASSES, G), jnp.float32),
            pltpu.VMEM((16,), jnp.float32),
            pltpu.VMEM((16,), jnp.float32),
            pltpu.SemaphoreType.DMA,
            pltpu.SemaphoreType.DMA,
        ],
    )
    def sc_kernel(src_hbm, mgt_hbm, conf_hbm, coord_hbm, gtpt_hbm, flags_hbm,
                  cls_hbm, q_out, mcls_out, l1_out, cnt_out,
                  src_all, mgt_all, conf_sl, flag_sl, coord_sl, gtpt_sl,
                  cls_sl, q_sl, mcls_sl, l1_v, cnt_v, sem, osem):
        wid = lax.axis_index("s") * nc + lax.axis_index("c")
        b = wid // (nw // B)
        p0 = (wid % (nw // B)) * pts

        pend = [
            pltpu.async_copy(src_hbm, src_all, sem),
            pltpu.async_copy(mgt_hbm, mgt_all, sem),
            pltpu.async_copy(conf_hbm.at[b, pl.ds(p0, pts)], conf_sl, sem),
            pltpu.async_copy(
                flags_hbm.at[pl.ds(p0, pts), pl.ds(b * G, G)], flag_sl, sem),
            pltpu.async_copy(coord_hbm.at[b, pl.ds(p0, pts)], coord_sl, sem),
            pltpu.async_copy(
                gtpt_hbm.at[pl.ds(p0, pts), :, pl.ds(b * G, G)], gtpt_sl,
                sem),
        ]

        @pl.when(wid < B)
        def _():
            pltpu.async_copy(cls_hbm.at[:, wid % B], cls_sl, sem).wait()
        for cp in pend:
            cp.wait()

        lane16 = lax.broadcasted_iota(jnp.int32, (16,), 0)

        opend = []
        def chunk(k, carry):
            col = lane16 + k * 16
            bv = jnp.full((16,), b, jnp.int32)
            idx = plsc.load_gather(src_all, [bv, col])
            gti = plsc.load_gather(mgt_all, [bv, col])

            def prow(i, carry2):
                l1, cnt = carry2
                row = jnp.full((16,), 0, jnp.int32) + i
                pv = plsc.load_gather(conf_sl, [row, idx])
                fv = plsc.load_gather(flag_sl, [row, gti])
                plsc.store_scatter(q_sl, [row, col],
                                   jnp.where(fv != 0, pv, 1.0 - pv))
                for c in range(2):
                    cv = jnp.full((16,), c, jnp.int32)
                    sp = plsc.load_gather(coord_sl, [row, cv, idx])
                    tp = plsc.load_gather(gtpt_sl, [row, cv, gti])
                    m = jnp.where(tp != PAD_VALUE, 1.0, 0.0)
                    l1 = l1 + jnp.abs(sp - tp) * m
                    cnt = cnt + m
                return (l1, cnt)

            return lax.fori_loop(0, pts, prow, carry, unroll=2)

        l1, cnt = lax.fori_loop(0, G // 16, chunk,
                                (jnp.zeros((16,), jnp.float32),
                                 jnp.zeros((16,), jnp.float32)))
        opend.append(pltpu.async_copy(
            q_sl, q_out.at[pl.ds(p0, pts), pl.ds(b * G, G)], osem))

        @pl.when(wid < B)
        def _():
            cb = wid % B

            def mchunk(k, _):
                col = lane16 + k * 16
                idx = plsc.load_gather(
                    src_all, [jnp.full((16,), cb, jnp.int32), col])
                for cc in range(NUM_CLASSES):
                    ccv = jnp.full((16,), cc, jnp.int32)
                    plsc.store_scatter(
                        mcls_sl, [ccv, col],
                        plsc.load_gather(cls_sl, [ccv, idx]))
                return 0

            lax.fori_loop(0, G // 16, mchunk, 0)
            pltpu.async_copy(
                mcls_sl, mcls_out.at[:, pl.ds(cb * G, G)], osem).wait()

        l1_v[...] = l1
        cnt_v[...] = cnt
        opend.append(pltpu.async_copy(l1_v, l1_out.at[pl.ds(wid * 16, 16)],
                                      osem))
        opend.append(pltpu.async_copy(cnt_v, cnt_out.at[pl.ds(wid * 16, 16)],
                                      osem))
        for cp in opend:
            cp.wait()

    return sc_kernel(srcm, mgtm, conf_t, coord_t, gtpt_t, flags_t, cls_t)



def _lse0(x):
    m = jnp.max(x, axis=0, keepdims=True)
    return jnp.log(jnp.sum(jnp.exp(x - m), axis=0, keepdims=True)) + m


def _tc_a_body(cls_ref, src_r_ref, mgt_r_ref, gcls_r_ref,
               base_out, win_out, tcls_out):
    f32 = jnp.float32

    eye = (lax.broadcasted_iota(jnp.int32, (G, G), 0)
           == lax.broadcasted_iota(jnp.int32, (G, G), 1))

    def to_col(vrow):
        return jnp.sum(jnp.where(eye, vrow, 0), axis=1, keepdims=True)

    x = cls_ref[...]
    ls4 = x[BACKGROUND:BACKGROUND + 1] - _lse0(x)
    p4 = jnp.exp(ls4)
    base_sum = jnp.sum(-(1.0 - ALPHA_BG) * (1.0 - p4) * (1.0 - p4) * ls4)
    base_out[...] = jnp.reshape(base_sum, (1, 1))

    gi = lax.broadcasted_iota(jnp.int32, (G, G), 0)
    gj = lax.broadcasted_iota(jnp.int32, (G, G), 1)
    for b in range(B):
        cs = pl.ds(b * G, G)
        sr = src_r_ref[:, cs]
        sc = to_col(sr)
        later = jnp.where((sc == sr) & (gi > gj), 1, 0)
        conflict = jnp.max(later, axis=0, keepdims=True)
        win_out[b, :] = (conflict == 0).astype(f32)[0]

        mr = mgt_r_ref[:, cs]
        gmat = mr == gi
        gcls = to_col(gcls_r_ref[:, cs]).astype(f32)
        tcls_out[b, :] = jnp.sum(jnp.where(gmat, gcls, 0.0), axis=0)


def _tc_b_body(mcls_ref, q_ref, l1_ref, cnt_ref, base_ref, win_ref, tcls_ref,
               cls_out, conf_out, coord_out):
    f32 = jnp.float32

    corr = f32(0.0)
    for b in range(B):
        cs = pl.ds(b * G, G)
        winner = win_ref[b:b + 1, :]
        tcls = tcls_ref[b:b + 1, :]
        xm = mcls_ref[:, cs]
        lsoft = xm - _lse0(xm)
        lane0 = lax.broadcasted_iota(jnp.int32, (NUM_CLASSES, G), 0)
        onehot = (lane0.astype(f32) == tcls).astype(f32)
        logp_t = jnp.sum(lsoft * onehot, axis=0, keepdims=True)
        p_t = jnp.exp(logp_t)
        alpha = jnp.where(tcls == 0.0, ALPHA_BG, 1.0 - ALPHA_BG)
        loss_new = -alpha * (1.0 - p_t) * (1.0 - p_t) * logp_t
        ls4m = lsoft[BACKGROUND:BACKGROUND + 1, :]
        p4m = jnp.exp(ls4m)
        loss_old = -(1.0 - ALPHA_BG) * (1.0 - p4m) * (1.0 - p4m) * ls4m
        corr = corr + jnp.sum(winner * (loss_new - loss_old))

    class_loss = CLASS_W * (base_ref[0, 0] + corr) / f32(N_ROW)

    conf_loss = PT_CONF_W * (-jnp.sum(jnp.log(q_ref[...])) / f32(N_PAIR * P))

    l1s = jnp.sum(l1_ref[...])
    cnts = jnp.sum(cnt_ref[...])
    coord_loss = PT_COORD_W * l1s / jnp.maximum(cnts, 1.0)

    cls_out[...] = jnp.reshape(class_loss, (1, 1))
    conf_out[...] = jnp.reshape(conf_loss, (1, 1))
    coord_out[...] = jnp.reshape(coord_loss, (1, 1))


def _tc_prep(cls_t, src_row, mgt_row, gcls_row):
    return pl.pallas_call(
        _tc_a_body,
        out_shape=(jax.ShapeDtypeStruct((1, 1), jnp.float32),
                   jax.ShapeDtypeStruct((B, G), jnp.float32),
                   jax.ShapeDtypeStruct((B, G), jnp.float32)),
    )(cls_t, src_row, mgt_row, gcls_row)


def _tc_losses(mcls, q, l1_part, cnt_part, base, win, tcls):
    s = jax.ShapeDtypeStruct((1, 1), jnp.float32)
    return pl.pallas_call(
        _tc_b_body,
        out_shape=(s, s, s),
    )(mcls, q, l1_part, cnt_part, base, win, tcls)


def kernel(cls_pred, point_coord_pred, point_confidence_pred,
           matched_src_idx, matched_gt_idx, gt_class, gt_points,
           gt_pt_padding_flags, gt_num):
    i32 = jnp.int32
    srcm = matched_src_idx.astype(i32)
    mgtm = matched_gt_idx.astype(i32)

    conf_t = jnp.transpose(point_confidence_pred, (0, 2, 1))
    coord_t = jnp.transpose(point_coord_pred, (0, 2, 3, 1))
    gtpt_t = jnp.transpose(gt_points, (1, 2, 0))
    flags_t = jnp.transpose(gt_pt_padding_flags.astype(i32), (1, 0))
    cls_t = jnp.transpose(cls_pred, (2, 0, 1))

    q, mcls, l1_part, cnt_part = _sc_assemble(
        srcm, mgtm, conf_t, coord_t, gtpt_t, flags_t, cls_t)

    base, win, tcls = _tc_prep(cls_t, srcm.reshape(1, N_PAIR),
                               mgtm.reshape(1, N_PAIR),
                               gt_class.astype(i32).reshape(1, N_PAIR))

    cl, co, cd = _tc_losses(mcls, q, l1_part.reshape(4, 128),
                            cnt_part.reshape(4, 128), base, win, tcls)
    return (cl.reshape(()), co.reshape(()), cd.reshape(()))

# --- scband reference (transcript-rebuilt; emitter-appended) ---
"""Pipeline reference for scband-integrated-loss-16724602651242 (READ-ONLY COPY).

The authoritative reference and input builder live on the scoring server;
editing this copy changes nothing except your own understanding.
"""

import jax, jax.numpy as jnp
import numpy as np

NUM_CLASSES = 5
BACKGROUND = 4
GAMMA = 2.0
ALPHA_BG = 0.25
CLASS_W = 2.0
PT_CONF_W = 1.0
PT_COORD_W = 5.0
PAD_VALUE = -10000.0

B, Q, G, P = 8, 512, 128, 64


def setup_inputs(seed: int = 0) -> dict:
    key = jax.random.key(seed)
    ks = jax.random.split(key, 8)
    cls_pred = jax.random.normal(ks[0], (B, Q, NUM_CLASSES), dtype=jnp.float32)
    point_coord_pred = jax.random.normal(ks[1], (B, Q, P, 2), dtype=jnp.float32)
    point_confidence_pred = jax.random.uniform(ks[2], (B, Q, P), dtype=jnp.float32, minval=1e-4, maxval=1.0 - 1e-4)
    matched_src_idx = jax.random.randint(ks[3], (B, G), 0, Q)
    matched_gt_idx = jnp.tile(jnp.arange(G, dtype=jnp.int64), (B, 1))
    gt_class = jax.random.randint(ks[4], (B * G,), 0, NUM_CLASSES - 1)
    gt_points = jax.random.normal(ks[5], (B * G, P, 2), dtype=jnp.float32)
    gt_pt_padding_flags = jax.random.randint(ks[6], (B * G, P), 0, 2)
    gt_num = jnp.full((B,), G, dtype=jnp.int64)
    return {
        'cls_pred': cls_pred,
        'point_coord_pred': point_coord_pred,
        'point_confidence_pred': point_confidence_pred,
        'matched_src_idx': matched_src_idx,
        'matched_gt_idx': matched_gt_idx,
        'gt_class': gt_class,
        'gt_points': gt_points,
        'gt_pt_padding_flags': gt_pt_padding_flags,
        'gt_num': gt_num,
    }


def _focal_loss(preds, labels):
    # preds: [N, C] flat logits; labels: [N]
    alpha_vec = jnp.concatenate([
        jnp.array([ALPHA_BG], dtype=jnp.float32),
        jnp.full((NUM_CLASSES - 1,), 1.0 - ALPHA_BG, dtype=jnp.float32),
    ])
    logsoft = jax.nn.log_softmax(preds, axis=1)
    soft = jnp.exp(logsoft)
    p_t = jnp.take_along_axis(soft, labels[:, None], axis=1)[:, 0]
    logp_t = jnp.take_along_axis(logsoft, labels[:, None], axis=1)[:, 0]
    alpha = jnp.take(alpha_vec, labels, axis=0)
    loss = -jnp.power(1.0 - p_t, GAMMA) * logp_t
    loss = alpha * loss
    return loss.mean()


def reference(cls_pred, point_coord_pred, point_confidence_pred,
              matched_src_idx, matched_gt_idx, gt_class, gt_points,
              gt_pt_padding_flags, gt_num):
    # Flatten permutation indices: batch_idx, src_idx (per-sample query indices)
    batch_idx = jnp.repeat(jnp.arange(B), G)                # [B*G]
    src_idx = matched_src_idx.reshape(-1)                   # [B*G]
    # gt tensors are stored flat [B*G, ...]; gt index within each sample
    gt_flat_idx = (jnp.arange(B)[:, None] * G + matched_gt_idx).reshape(-1)

    # ---- loss_labels ----
    target_classes_o = jnp.take(gt_class, gt_flat_idx, axis=0)
    target_classes = jnp.full((B, Q), BACKGROUND, dtype=jnp.int64)
    target_classes = target_classes.at[batch_idx, src_idx].set(target_classes_o)
    class_loss = CLASS_W * _focal_loss(cls_pred.reshape(-1, NUM_CLASSES), target_classes.reshape(-1))

    # ---- loss_pt_confidence ----
    target_conf = jnp.take(gt_pt_padding_flags, gt_flat_idx, axis=0).astype(jnp.float32)  # [B*G, P]
    src_conf = point_confidence_pred[batch_idx, src_idx]     # [B*G, P]
    bce = -(target_conf * jnp.log(src_conf) + (1.0 - target_conf) * jnp.log(1.0 - src_conf))
    conf_loss = PT_CONF_W * bce.mean()

    # ---- loss_pt_coord ----
    target_pt = jnp.take(gt_points, gt_flat_idx, axis=0)      # [B*G, P, 2]
    src_pt = point_coord_pred[batch_idx, src_idx]             # [B*G, P, 2]
    mask = (target_pt != PAD_VALUE).astype(jnp.float32)
    l1 = jnp.abs(src_pt - target_pt) * mask
    coord_loss = PT_COORD_W * (l1.sum() / jnp.maximum(mask.sum(), 1.0))
    return (class_loss, conf_loss, coord_loss)

if __name__ == "__main__":
    import jax
    _d = setup_inputs()
    print(jax.jit(kernel)(*tuple(_d.values())))

</pallas_src>

<mosaic_0001>
#map = affine_map<(d0, d1) -> (0, 0)>
#map1 = affine_map<(d0, d1) -> (0, 0, 0)>
#map2 = affine_map<(d0, d1) -> (0, 0, 0, 0)>
#map3 = affine_map<(d0, d1) -> (0)>
module attributes {stable_mosaic.version = 14 : i64} {
  func.func @sc_kernel(%arg0: i32, %arg1: i32, %arg2: memref<8x128xi32, #tpu.memory_space<hbm>>, %arg3: memref<8x128xi32, #tpu.memory_space<hbm>>, %arg4: memref<8x64x512xf32, #tpu.memory_space<hbm>>, %arg5: memref<8x64x2x512xf32, #tpu.memory_space<hbm>>, %arg6: memref<64x2x1024xf32, #tpu.memory_space<hbm>>, %arg7: memref<64x1024xi32, #tpu.memory_space<hbm>>, %arg8: memref<5x8x512xf32, #tpu.memory_space<hbm>>, %arg9: memref<64x1024xf32, #tpu.memory_space<hbm>>, %arg10: memref<5x1024xf32, #tpu.memory_space<hbm>>, %arg11: memref<512xf32, #tpu.memory_space<hbm>>, %arg12: memref<512xf32, #tpu.memory_space<hbm>>, %arg13: memref<8x128xi32, #tpu.memory_space<vmem>>, %arg14: memref<8x128xi32, #tpu.memory_space<vmem>>, %arg15: memref<16x512xf32, #tpu.memory_space<vmem>>, %arg16: memref<16x128xi32, #tpu.memory_space<vmem>>, %arg17: memref<16x2x512xf32, #tpu.memory_space<vmem>>, %arg18: memref<16x2x128xf32, #tpu.memory_space<vmem>>, %arg19: memref<5x512xf32, #tpu.memory_space<vmem>>, %arg20: memref<16x128xf32, #tpu.memory_space<vmem>>, %arg21: memref<5x128xf32, #tpu.memory_space<vmem>>, %arg22: memref<16xf32, #tpu.memory_space<vmem>>, %arg23: memref<16xf32, #tpu.memory_space<vmem>>, %arg24: memref<!tpu.dma_semaphore, #tpu.memory_space<semaphore_mem>>, %arg25: memref<!tpu.dma_semaphore, #tpu.memory_space<semaphore_mem>>) attributes {dimension_semantics = [#tpu.dimension_semantics<core_parallel>, #tpu.dimension_semantics<subcore_parallel>], iteration_bounds = array<i64: 2, 16>, scalar_prefetch = 0 : i64, scratch_operands = 13 : i64, tpu.core_type = #tpu.core_type<sc_vector_subcore>, window_params = [{transform_indices = #map}, {transform_indices = #map}, {transform_indices = #map1}, {transform_indices = #map2}, {transform_indices = #map1}, {transform_indices = #map}, {transform_indices = #map1}, {transform_indices = #map}, {transform_indices = #map}, {transform_indices = #map3}, {transform_indices = #map3}]} {
    %mul3A = arith.constant 2 : i32
    %mul3A_0 = arith.muli %arg1, %mul3A : i32
    %add3A = arith.addi %mul3A_0, %arg0 : i32
    %jit3A = arith.constant 4 : i32
    %div3A = arith.divsi %add3A, %jit3A : i32
    %sign3A = arith.constant 0 : i32
    %sign3A_1 = arith.cmpi sgt, %add3A, %sign3A : i32
    %sign3A_2 = arith.extui %sign3A_1 : i1 to i32
    %sign3A_3 = arith.constant 0 : i32
    %sign3A_4 = arith.cmpi slt, %add3A, %sign3A_3 : i32
    %sign3A_5 = arith.extui %sign3A_4 : i1 to i32
    %sign3A_6 = arith.subi %sign3A_2, %sign3A_5 : i32
    %sign3A_7 = arith.constant 0 : i32
    %sign3A_8 = arith.cmpi sgt, %jit3A, %sign3A_7 : i32
    %sign3A_9 = arith.extui %sign3A_8 : i1 to i32
    %sign3A_10 = arith.constant 0 : i32
    %sign3A_11 = arith.cmpi slt, %jit3A, %sign3A_10 : i32
    %sign3A_12 = arith.extui %sign3A_11 : i1 to i32
    %sign3A_13 = arith.subi %sign3A_9, %sign3A_12 : i32
    %ne3A = arith.cmpi ne, %sign3A_6, %sign3A_13 : i32
    %rem3A = arith.remsi %add3A, %jit3A : i32
    %ne3A_14 = arith.constant 0 : i32
    %ne3A_15 = arith.cmpi ne, %rem3A, %ne3A_14 : i32
    %and3A = arith.andi %ne3A, %ne3A_15 : i1
    %sub3A = arith.constant 1 : i32
    %sub3A_16 = arith.subi %div3A, %sub3A : i32
    %select_n3A = arith.select %and3A, %sub3A_16, %div3A : i32
    %jit3A_17 = arith.constant 4 : i32
    %eq3A = arith.constant 0 : i32
    %eq3A_18 = arith.cmpi eq, %jit3A_17, %eq3A : i32
    %jit3A_19 = arith.constant 1 : i32
    %select_n3A_20 = arith.select %eq3A_18, %jit3A_19, %jit3A_17 : i32
    %rem3A_21 = arith.remsi %add3A, %select_n3A_20 : i32
    %ne3A_22 = arith.constant 0 : i32
    %ne3A_23 = arith.cmpi ne, %rem3A_21, %ne3A_22 : i32
    %lt3A = arith.constant 0 : i32
    %lt3A_24 = arith.cmpi slt, %rem3A_21, %lt3A : i32
    %lt3A_25 = arith.constant 0 : i32
    %lt3A_26 = arith.cmpi slt, %select_n3A_20, %lt3A_25 : i32
    %ne3A_27 = arith.xori %lt3A_24, %lt3A_26 : i1
    %and3A_28 = arith.andi %ne3A_27, %ne3A_23 : i1
    %add3A_29 = arith.addi %rem3A_21, %select_n3A_20 : i32
    %select_n3A_30 = arith.select %and3A_28, %add3A_29, %rem3A_21 : i32
    %mul3A_31 = arith.constant 16 : i32
    %mul3A_32 = arith.muli %select_n3A_30, %mul3A_31 : i32
    tpu.enqueue_dma source(%arg2 : memref<8x128xi32, #tpu.memory_space<hbm>>) target(%arg13 : memref<8x128xi32, #tpu.memory_space<vmem>>) target_semaphore(%arg24 : memref<!tpu.dma_semaphore, #tpu.memory_space<semaphore_mem>>)
    tpu.enqueue_dma source(%arg3 : memref<8x128xi32, #tpu.memory_space<hbm>>) target(%arg14 : memref<8x128xi32, #tpu.memory_space<vmem>>) target_semaphore(%arg24 : memref<!tpu.dma_semaphore, #tpu.memory_space<semaphore_mem>>)
    %dma_start3A = arith.constant 0 : i32
    %dma_start3A_33 = tpu.memref_slice %arg4[%select_n3A, %mul3A_32, %dma_start3A] : memref<8x64x512xf32, #tpu.memory_space<hbm>> -> memref<1x16x512xf32, #tpu.memory_space<hbm>>
    %dma_start3A_34 = tpu.memref_squeeze %dma_start3A_33 : memref<1x16x512xf32, #tpu.memory_space<hbm>> -> memref<16x512xf32, #tpu.memory_space<hbm>>
    %dma_start3A_35 = arith.constant 0 : i32
    %dma_start3A_36 = tpu.memref_slice %arg4[%select_n3A, %mul3A_32, %dma_start3A_35] : memref<8x64x512xf32, #tpu.memory_space<hbm>> -> memref<1x16x512xf32, #tpu.memory_space<hbm>>
    %dma_start3A_37 = tpu.memref_squeeze %dma_start3A_36 : memref<1x16x512xf32, #tpu.memory_space<hbm>> -> memref<16x512xf32, #tpu.memory_space<hbm>>
    tpu.enqueue_dma source(%dma_start3A_37 : memref<16x512xf32, #tpu.memory_space<hbm>>) target(%arg15 : memref<16x512xf32, #tpu.memory_space<vmem>>) target_semaphore(%arg24 : memref<!tpu.dma_semaphore, #tpu.memory_space<semaphore_mem>>)
    %mul3A_38 = arith.constant 128 : i32
    %mul3A_39 = arith.muli %select_n3A, %mul3A_38 : i32
    %dma_start3A_40 = tpu.memref_slice %arg7[%mul3A_32, %mul3A_39] : memref<64x1024xi32, #tpu.memory_space<hbm>> -> memref<16x128xi32, #tpu.memory_space<hbm>>
    %dma_start3A_41 = tpu.memref_slice %arg7[%mul3A_32, %mul3A_39] : memref<64x1024xi32, #tpu.memory_space<hbm>> -> memref<16x128xi32, #tpu.memory_space<hbm>>
    tpu.enqueue_dma source(%dma_start3A_41 : memref<16x128xi32, #tpu.memory_space<hbm>>) target(%arg16 : memref<16x128xi32, #tpu.memory_space<vmem>>) target_semaphore(%arg24 : memref<!tpu.dma_semaphore, #tpu.memory_space<semaphore_mem>>)
    %dma_start3A_42 = arith.constant 0 : i32
    %dma_start3A_43 = arith.constant 0 : i32
    %dma_start3A_44 = tpu.memref_slice %arg5[%select_n3A, %mul3A_32, %dma_start3A_42, %dma_start3A_43] : memref<8x64x2x512xf32, #tpu.memory_space<hbm>> -> memref<1x16x2x512xf32, #tpu.memory_space<hbm>>
    %dma_start3A_45 = tpu.memref_squeeze %dma_start3A_44 : memref<1x16x2x512xf32, #tpu.memory_space<hbm>> -> memref<16x2x512xf32, #tpu.memory_space<hbm>>
    %dma_start3A_46 = arith.constant 0 : i32
    %dma_start3A_47 = arith.constant 0 : i32
    %dma_start3A_48 = tpu.memref_slice %arg5[%select_n3A, %mul3A_32, %dma_start3A_46, %dma_start3A_47] : memref<8x64x2x512xf32, #tpu.memory_space<hbm>> -> memref<1x16x2x512xf32, #tpu.memory_space<hbm>>
    %dma_start3A_49 = tpu.memref_squeeze %dma_start3A_48 : memref<1x16x2x512xf32, #tpu.memory_space<hbm>> -> memref<16x2x512xf32, #tpu.memory_space<hbm>>
    tpu.enqueue_dma source(%dma_start3A_49 : memref<16x2x512xf32, #tpu.memory_space<hbm>>) target(%arg17 : memref<16x2x512xf32, #tpu.memory_space<vmem>>) target_semaphore(%arg24 : memref<!tpu.dma_semaphore, #tpu.memory_space<semaphore_mem>>)
    %mul3A_50 = arith.constant 128 : i32
    %mul3A_51 = arith.muli %select_n3A, %mul3A_50 : i32
    %dma_start3A_52 = arith.constant 0 : i32
    %dma_start3A_53 = tpu.memref_slice %arg6[%mul3A_32, %dma_start3A_52, %mul3A_51] : memref<64x2x1024xf32, #tpu.memory_space<hbm>> -> memref<16x2x128xf32, #tpu.memory_space<hbm>>
    %dma_start3A_54 = arith.constant 0 : i32
    %dma_start3A_55 = tpu.memref_slice %arg6[%mul3A_32, %dma_start3A_54, %mul3A_51] : memref<64x2x1024xf32, #tpu.memory_space<hbm>> -> memref<16x2x128xf32, #tpu.memory_space<hbm>>
    tpu.enqueue_dma source(%dma_start3A_55 : memref<16x2x128xf32, #tpu.memory_space<hbm>>) target(%arg18 : memref<16x2x128xf32, #tpu.memory_space<vmem>>) target_semaphore(%arg24 : memref<!tpu.dma_semaphore, #tpu.memory_space<semaphore_mem>>)
    %lt3A_56 = arith.constant 8 : i32
    %lt3A_57 = arith.cmpi slt, %add3A, %lt3A_56 : i32
    %convert_element_type3A = arith.extui %lt3A_57 : i1 to i32
    %cond3A = arith.constant 0 : i32
    %cond3A_58 = arith.cmpi ne, %convert_element_type3A, %cond3A : i32
    scf.if %cond3A_58 {
      %jit3A_112 = arith.constant 8 : i32
      %eq3A_113 = arith.constant 0 : i32
      %eq3A_114 = arith.cmpi eq, %jit3A_112, %eq3A_113 : i32
      %jit3A_115 = arith.constant 1 : i32
      %select_n3A_116 = arith.select %eq3A_114, %jit3A_115, %jit3A_112 : i32
      %rem3A_117 = arith.remsi %add3A, %select_n3A_116 : i32
      %ne3A_118 = arith.constant 0 : i32
      %ne3A_119 = arith.cmpi ne, %rem3A_117, %ne3A_118 : i32
      %lt3A_120 = arith.constant 0 : i32
      %lt3A_121 = arith.cmpi slt, %rem3A_117, %lt3A_120 : i32
      %lt3A_122 = arith.constant 0 : i32
      %lt3A_123 = arith.cmpi slt, %select_n3A_116, %lt3A_122 : i32
      %ne3A_124 = arith.xori %lt3A_121, %lt3A_123 : i1
      %and3A_125 = arith.andi %ne3A_124, %ne3A_119 : i1
      %add3A_126 = arith.addi %rem3A_117, %select_n3A_116 : i32
      %select_n3A_127 = arith.select %and3A_125, %add3A_126, %rem3A_117 : i32
      %dma_start3A_128 = arith.constant 0 : i32
      %dma_start3A_129 = arith.constant 0 : i32
      %dma_start3A_130 = tpu.memref_slice %arg8[%dma_start3A_128, %select_n3A_127, %dma_start3A_129] : memref<5x8x512xf32, #tpu.memory_space<hbm>> -> memref<5x1x512xf32, #tpu.memory_space<hbm>>
      %dma_start3A_131 = tpu.memref_squeeze %dma_start3A_130 : memref<5x1x512xf32, #tpu.memory_space<hbm>> -> memref<5x512xf32, #tpu.memory_space<hbm>>
      %dma_start3A_132 = arith.constant 0 : i32
      %dma_start3A_133 = arith.constant 0 : i32
      %dma_start3A_134 = tpu.memref_slice %arg8[%dma_start3A_132, %select_n3A_127, %dma_start3A_133] : memref<5x8x512xf32, #tpu.memory_space<hbm>> -> memref<5x1x512xf32, #tpu.memory_space<hbm>>
      %dma_start3A_135 = tpu.memref_squeeze %dma_start3A_134 : memref<5x1x512xf32, #tpu.memory_space<hbm>> -> memref<5x512xf32, #tpu.memory_space<hbm>>
      tpu.enqueue_dma source(%dma_start3A_135 : memref<5x512xf32, #tpu.memory_space<hbm>>) target(%arg19 : memref<5x512xf32, #tpu.memory_space<vmem>>) target_semaphore(%arg24 : memref<!tpu.dma_semaphore, #tpu.memory_space<semaphore_mem>>)
      %dma_wait3A_136 = arith.constant 0 : i32
      %dma_wait3A_137 = arith.constant 0 : i32
      %dma_wait3A_138 = tpu.memref_slice %arg8[%dma_wait3A_136, %select_n3A_127, %dma_wait3A_137] : memref<5x8x512xf32, #tpu.memory_space<hbm>> -> memref<5x1x512xf32, #tpu.memory_space<hbm>>
      %dma_wait3A_139 = tpu.memref_squeeze %dma_wait3A_138 : memref<5x1x512xf32, #tpu.memory_space<hbm>> -> memref<5x512xf32, #tpu.memory_space<hbm>>
      %dma_wait3A_140 = arith.constant 0 : i32
      %dma_wait3A_141 = arith.constant 0 : i32
      %dma_wait3A_142 = tpu.memref_slice %arg8[%dma_wait3A_140, %select_n3A_127, %dma_wait3A_141] : memref<5x8x512xf32, #tpu.memory_space<hbm>> -> memref<5x1x512xf32, #tpu.memory_space<hbm>>
      %dma_wait3A_143 = tpu.memref_squeeze %dma_wait3A_142 : memref<5x1x512xf32, #tpu.memory_space<hbm>> -> memref<5x512xf32, #tpu.memory_space<hbm>>
      tpu.wait_dma2 semaphore(%arg24 : memref<!tpu.dma_semaphore, #tpu.memory_space<semaphore_mem>>) src(%dma_wait3A_143 : memref<5x512xf32, #tpu.memory_space<hbm>>) dst(%arg19 : memref<5x512xf32, #tpu.memory_space<vmem>>)
    } else {
    }
    tpu.wait_dma2 semaphore(%arg24 : memref<!tpu.dma_semaphore, #tpu.memory_space<semaphore_mem>>) src(%arg2 : memref<8x128xi32, #tpu.memory_space<hbm>>) dst(%arg13 : memref<8x128xi32, #tpu.memory_space<vmem>>)
    tpu.wait_dma2 semaphore(%arg24 : memref<!tpu.dma_semaphore, #tpu.memory_space<semaphore_mem>>) src(%arg3 : memref<8x128xi32, #tpu.memory_space<hbm>>) dst(%arg14 : memref<8x128xi32, #tpu.memory_space<vmem>>)
    %dma_wait3A = arith.constant 0 : i32
    %dma_wait3A_59 = tpu.memref_slice %arg4[%select_n3A, %mul3A_32, %dma_wait3A] : memref<8x64x512xf32, #tpu.memory_space<hbm>> -> memref<1x16x512xf32, #tpu.memory_space<hbm>>
    %dma_wait3A_60 = tpu.memref_squeeze %dma_wait3A_59 : memref<1x16x512xf32, #tpu.memory_space<hbm>> -> memref<16x512xf32, #tpu.memory_space<hbm>>
    %dma_wait3A_61 = arith.constant 0 : i32
    %dma_wait3A_62 = tpu.memref_slice %arg4[%select_n3A, %mul3A_32, %dma_wait3A_61] : memref<8x64x512xf32, #tpu.memory_space<hbm>> -> memref<1x16x512xf32, #tpu.memory_space<hbm>>
    %dma_wait3A_63 = tpu.memref_squeeze %dma_wait3A_62 : memref<1x16x512xf32, #tpu.memory_space<hbm>> -> memref<16x512xf32, #tpu.memory_space<hbm>>
    tpu.wait_dma2 semaphore(%arg24 : memref<!tpu.dma_semaphore, #tpu.memory_space<semaphore_mem>>) src(%dma_wait3A_63 : memref<16x512xf32, #tpu.memory_space<hbm>>) dst(%arg15 : memref<16x512xf32, #tpu.memory_space<vmem>>)
    %dma_wait3A_64 = tpu.memref_slice %arg7[%mul3A_32, %mul3A_39] : memref<64x1024xi32, #tpu.memory_space<hbm>> -> memref<16x128xi32, #tpu.memory_space<hbm>>
    %dma_wait3A_65 = tpu.memref_slice %arg7[%mul3A_32, %mul3A_39] : memref<64x1024xi32, #tpu.memory_space<hbm>> -> memref<16x128xi32, #tpu.memory_space<hbm>>
    tpu.wait_dma2 semaphore(%arg24 : memref<!tpu.dma_semaphore, #tpu.memory_space<semaphore_mem>>) src(%dma_wait3A_65 : memref<16x128xi32, #tpu.memory_space<hbm>>) dst(%arg16 : memref<16x128xi32, #tpu.memory_space<vmem>>)
    %dma_wait3A_66 = arith.constant 0 : i32
    %dma_wait3A_67 = arith.constant 0 : i32
    %dma_wait3A_68 = tpu.memref_slice %arg5[%select_n3A, %mul3A_32, %dma_wait3A_66, %dma_wait3A_67] : memref<8x64x2x512xf32, #tpu.memory_space<hbm>> -> memref<1x16x2x512xf32, #tpu.memory_space<hbm>>
    %dma_wait3A_69 = tpu.memref_squeeze %dma_wait3A_68 : memref<1x16x2x512xf32, #tpu.memory_space<hbm>> -> memref<16x2x512xf32, #tpu.memory_space<hbm>>
    %dma_wait3A_70 = arith.constant 0 : i32
    %dma_wait3A_71 = arith.constant 0 : i32
    %dma_wait3A_72 = tpu.memref_slice %arg5[%select_n3A, %mul3A_32, %dma_wait3A_70, %dma_wait3A_71] : memref<8x64x2x512xf32, #tpu.memory_space<hbm>> -> memref<1x16x2x512xf32, #tpu.memory_space<hbm>>
    %dma_wait3A_73 = tpu.memref_squeeze %dma_wait3A_72 : memref<1x16x2x512xf32, #tpu.memory_space<hbm>> -> memref<16x2x512xf32, #tpu.memory_space<hbm>>
    tpu.wait_dma2 semaphore(%arg24 : memref<!tpu.dma_semaphore, #tpu.memory_space<semaphore_mem>>) src(%dma_wait3A_73 : memref<16x2x512xf32, #tpu.memory_space<hbm>>) dst(%arg17 : memref<16x2x512xf32, #tpu.memory_space<vmem>>)
    %dma_wait3A_74 = arith.constant 0 : i32
    %dma_wait3A_75 = tpu.memref_slice %arg6[%mul3A_32, %dma_wait3A_74, %mul3A_51] : memref<64x2x1024xf32, #tpu.memory_space<hbm>> -> memref<16x2x128xf32, #tpu.memory_space<hbm>>
    %dma_wait3A_76 = arith.constant 0 : i32
    %dma_wait3A_77 = tpu.memref_slice %arg6[%mul3A_32, %dma_wait3A_76, %mul3A_51] : memref<64x2x1024xf32, #tpu.memory_space<hbm>> -> memref<16x2x128xf32, #tpu.memory_space<hbm>>
    tpu.wait_dma2 semaphore(%arg24 : memref<!tpu.dma_semaphore, #tpu.memory_space<semaphore_mem>>) src(%dma_wait3A_77 : memref<16x2x128xf32, #tpu.memory_space<hbm>>) dst(%arg18 : memref<16x2x128xf32, #tpu.memory_space<vmem>>)
    %iota3A = tpu.iota {dimensions = array<i32: 0>} : vector<16xi32>
    %broadcast_in_dim3A = arith.constant 0.000000e+00 : f32
    %broadcast_in_dim3A_78 = vector.broadcast %broadcast_in_dim3A : f32 to vector<16xf32>
    %broadcast_in_dim3A_79 = arith.constant 0.000000e+00 : f32
    %broadcast_in_dim3A_80 = vector.broadcast %broadcast_in_dim3A_79 : f32 to vector<16xf32>
    %scan3A = arith.constant 0 : i32
    %scan3A_81 = arith.constant 8 : i32
    %scan3A_82 = arith.addi %scan3A, %scan3A_81 : i32
    %scan3A_83 = arith.constant 1 : i32
    %scan3A_84:2 = scf.for %scan3A_112 = %scan3A to %scan3A_82 step %scan3A_83 iter_args(%scan3A_113 = %broadcast_in_dim3A_78, %scan3A_114 = %broadcast_in_dim3A_80) -> (vector<16xf32>, vector<16xf32>)  : i32 {
      %mul3A_115 = arith.constant 16 : i32
      %mul3A_116 = arith.muli %scan3A_112, %mul3A_115 : i32
      %add3A_117 = vector.broadcast %mul3A_116 : i32 to vector<16xi32>
      %add3A_118 = arith.addi %iota3A, %add3A_117 : vector<16xi32>
      %broadcast_in_dim3A_119 = vector.broadcast %select_n3A : i32 to vector<16xi32>
      %gather3A = tpu.vector_load_idx %arg13[%broadcast_in_dim3A_119, %add3A_118] : memref<8x128xi32, #tpu.memory_space<vmem>>[vector<16xi32>, vector<16xi32>], vector<16xi32>,
      %gather3A_120 = tpu.vector_load_idx %arg14[%broadcast_in_dim3A_119, %add3A_118] : memref<8x128xi32, #tpu.memory_space<vmem>>[vector<16xi32>, vector<16xi32>], vector<16xi32>,
      %scan3A_121 = arith.constant 0 : i32
      %scan3A_122 = arith.constant 16 : i32
      %scan3A_123 = arith.addi %scan3A_121, %scan3A_122 : i32
      %scan3A_124 = arith.constant 2 : i32
      %scan3A_125:2 = scf.for %scan3A_127 = %scan3A_121 to %scan3A_123 step %scan3A_124 iter_args(%scan3A_128 = %scan3A_113, %scan3A_129 = %scan3A_114) -> (vector<16xf32>, vector<16xf32>)  : i32 {
        %broadcast_in_dim3A_130 = arith.constant 0 : i32
        %broadcast_in_dim3A_131 = vector.broadcast %broadcast_in_dim3A_130 : i32 to vector<16xi32>
        %add3A_132 = vector.broadcast %scan3A_127 : i32 to vector<16xi32>
        %add3A_133 = arith.addi %broadcast_in_dim3A_131, %add3A_132 : vector<16xi32>
        %gather3A_134 = tpu.vector_load_idx %arg15[%add3A_133, %gather3A] : memref<16x512xf32, #tpu.memory_space<vmem>>[vector<16xi32>, vector<16xi32>], vector<16xf32>,
        %gather3A_135 = tpu.vector_load_idx %arg16[%add3A_133, %gather3A_120] : memref<16x128xi32, #tpu.memory_space<vmem>>[vector<16xi32>, vector<16xi32>], vector<16xi32>,
        %ne3A_136 = arith.constant 0 : i32
        %ne3A_137 = vector.broadcast %ne3A_136 : i32 to vector<16xi32>
        %ne3A_138 = arith.cmpi ne, %gather3A_135, %ne3A_137 : vector<16xi32>
        %sub3A_139 = arith.constant 1.000000e+00 : f32
        %sub3A_140 = vector.broadcast %sub3A_139 : f32 to vector<16xf32>
        %sub3A_141 = arith.subf %sub3A_140, %gather3A_134 : vector<16xf32>
        %select_n3A_142 = arith.select %ne3A_138, %gather3A_134, %sub3A_141 : vector<16xi1>, vector<16xf32>
        tpu.vector_store_idx %arg20[%add3A_133, %add3A_118], %select_n3A_142 : memref<16x128xf32, #tpu.memory_space<vmem>>[vector<16xi32>, vector<16xi32>], vector<16xf32>,
        %broadcast_in_dim3A_143 = arith.constant 0 : i32
        %broadcast_in_dim3A_144 = vector.broadcast %broadcast_in_dim3A_143 : i32 to vector<16xi32>
        %gather3A_145 = tpu.vector_load_idx %arg17[%add3A_133, %broadcast_in_dim3A_144, %gather3A] : memref<16x2x512xf32, #tpu.memory_space<vmem>>[vector<16xi32>, vector<16xi32>, vector<16xi32>], vector<16xf32>,
        %gather3A_146 = tpu.vector_load_idx %arg18[%add3A_133, %broadcast_in_dim3A_144, %gather3A_120] : memref<16x2x128xf32, #tpu.memory_space<vmem>>[vector<16xi32>, vector<16xi32>, vector<16xi32>], vector<16xf32>,
        %ne3A_147 = arith.constant -1.000000e+04 : f32
        %ne3A_148 = vector.broadcast %ne3A_147 : f32 to vector<16xf32>
        %ne3A_149 = arith.cmpf one, %gather3A_146, %ne3A_148 : vector<16xf32>
        %jit3A_150 = arith.constant 1.000000e+00 : f32
        %jit3A_151 = arith.constant 0.000000e+00 : f32
        %broadcast_in_dim3A_152 = vector.broadcast %jit3A_150 : f32 to vector<16xf32>
        %broadcast_in_dim3A_153 = vector.broadcast %jit3A_151 : f32 to vector<16xf32>
        %select_n3A_154 = arith.select %ne3A_149, %broadcast_in_dim3A_152, %broadcast_in_dim3A_153 : vector<16xi1>, vector<16xf32>
        %sub3A_155 = arith.subf %gather3A_145, %gather3A_146 : vector<16xf32>
        %abs3A = math.absf %sub3A_155 : vector<16xf32>
        %mul3A_156 = arith.mulf %abs3A, %select_n3A_154 : vector<16xf32>
        %add3A_157 = arith.addf %scan3A_128, %mul3A_156 : vector<16xf32>
        %add3A_158 = arith.addf %scan3A_129, %select_n3A_154 : vector<16xf32>
        %broadcast_in_dim3A_159 = arith.constant 1 : i32
        %broadcast_in_dim3A_160 = vector.broadcast %broadcast_in_dim3A_159 : i32 to vector<16xi32>
        %gather3A_161 = tpu.vector_load_idx %arg17[%add3A_133, %broadcast_in_dim3A_160, %gather3A] : memref<16x2x512xf32, #tpu.memory_space<vmem>>[vector<16xi32>, vector<16xi32>, vector<16xi32>], vector<16xf32>,
        %gather3A_162 = tpu.vector_load_idx %arg18[%add3A_133, %broadcast_in_dim3A_160, %gather3A_120] : memref<16x2x128xf32, #tpu.memory_space<vmem>>[vector<16xi32>, vector<16xi32>, vector<16xi32>], vector<16xf32>,
        %ne3A_163 = arith.constant -1.000000e+04 : f32
        %ne3A_164 = vector.broadcast %ne3A_163 : f32 to vector<16xf32>
        %ne3A_165 = arith.cmpf one, %gather3A_162, %ne3A_164 : vector<16xf32>
        %jit3A_166 = arith.constant 1.000000e+00 : f32
        %jit3A_167 = arith.constant 0.000000e+00 : f32
        %broadcast_in_dim3A_168 = vector.broadcast %jit3A_166 : f32 to vector<16xf32>
        %broadcast_in_dim3A_169 = vector.broadcast %jit3A_167 : f32 to vector<16xf32>
        %select_n3A_170 = arith.select %ne3A_165, %broadcast_in_dim3A_168, %broadcast_in_dim3A_169 : vector<16xi1>, vector<16xf32>
        %sub3A_171 = arith.subf %gather3A_161, %gather3A_162 : vector<16xf32>
        %abs3A_172 = math.absf %sub3A_171 : vector<16xf32>
        %mul3A_173 = arith.mulf %abs3A_172, %select_n3A_170 : vector<16xf32>
        %add3A_174 = arith.addf %add3A_157, %mul3A_173 : vector<16xf32>
        %add3A_175 = arith.addf %add3A_158, %select_n3A_170 : vector<16xf32>
        %scan3A_176 = arith.constant 1 : i32
        %scan3A_177 = arith.addi %scan3A_127, %scan3A_176 : i32
        %broadcast_in_dim3A_178 = arith.constant 0 : i32
        %broadcast_in_dim3A_179 = vector.broadcast %broadcast_in_dim3A_178 : i32 to vector<16xi32>
        %add3A_180 = vector.broadcast %scan3A_177 : i32 to vector<16xi32>
        %add3A_181 = arith.addi %broadcast_in_dim3A_179, %add3A_180 : vector<16xi32>
        %gather3A_182 = tpu.vector_load_idx %arg15[%add3A_181, %gather3A] : memref<16x512xf32, #tpu.memory_space<vmem>>[vector<16xi32>, vector<16xi32>], vector<16xf32>,
        %gather3A_183 = tpu.vector_load_idx %arg16[%add3A_181, %gather3A_120] : memref<16x128xi32, #tpu.memory_space<vmem>>[vector<16xi32>, vector<16xi32>], vector<16xi32>,
        %ne3A_184 = arith.constant 0 : i32
        %ne3A_185 = vector.broadcast %ne3A_184 : i32 to vector<16xi32>
        %ne3A_186 = arith.cmpi ne, %gather3A_183, %ne3A_185 : vector<16xi32>
        %sub3A_187 = arith.constant 1.000000e+00 : f32
        %sub3A_188 = vector.broadcast %sub3A_187 : f32 to vector<16xf32>
        %sub3A_189 = arith.subf %sub3A_188, %gather3A_182 : vector<16xf32>
        %select_n3A_190 = arith.select %ne3A_186, %gather3A_182, %sub3A_189 : vector<16xi1>, vector<16xf32>
        tpu.vector_store_idx %arg20[%add3A_181, %add3A_118], %select_n3A_190 : memref<16x128xf32, #tpu.memory_space<vmem>>[vector<16xi32>, vector<16xi32>], vector<16xf32>,
        %broadcast_in_dim3A_191 = arith.constant 0 : i32
        %broadcast_in_dim3A_192 = vector.broadcast %broadcast_in_dim3A_191 : i32 to vector<16xi32>
        %gather3A_193 = tpu.vector_load_idx %arg17[%add3A_181, %broadcast_in_dim3A_192, %gather3A] : memref<16x2x512xf32, #tpu.memory_space<vmem>>[vector<16xi32>, vector<16xi32>, vector<16xi32>], vector<16xf32>,
        %gather3A_194 = tpu.vector_load_idx %arg18[%add3A_181, %broadcast_in_dim3A_192, %gather3A_120] : memref<16x2x128xf32, #tpu.memory_space<vmem>>[vector<16xi32>, vector<16xi32>, vector<16xi32>], vector<16xf32>,
        %ne3A_195 = arith.constant -1.000000e+04 : f32
        %ne3A_196 = vector.broadcast %ne3A_195 : f32 to vector<16xf32>
        %ne3A_197 = arith.cmpf one, %gather3A_194, %ne3A_196 : vector<16xf32>
        %jit3A_198 = arith.constant 1.000000e+00 : f32
        %jit3A_199 = arith.constant 0.000000e+00 : f32
        %broadcast_in_dim3A_200 = vector.broadcast %jit3A_198 : f32 to vector<16xf32>
        %broadcast_in_dim3A_201 = vector.broadcast %jit3A_199 : f32 to vector<16xf32>
        %select_n3A_202 = arith.select %ne3A_197, %broadcast_in_dim3A_200, %broadcast_in_dim3A_201 : vector<16xi1>, vector<16xf32>
        %sub3A_203 = arith.subf %gather3A_193, %gather3A_194 : vector<16xf32>
        %abs3A_204 = math.absf %sub3A_203 : vector<16xf32>
        %mul3A_205 = arith.mulf %abs3A_204, %select_n3A_202 : vector<16xf32>
        %add3A_206 = arith.addf %add3A_174, %mul3A_205 : vector<16xf32>
        %add3A_207 = arith.addf %add3A_175, %select_n3A_202 : vector<16xf32>
        %broadcast_in_dim3A_208 = arith.constant 1 : i32
        %broadcast_in_dim3A_209 = vector.broadcast %broadcast_in_dim3A_208 : i32 to vector<16xi32>
        %gather3A_210 = tpu.vector_load_idx %arg17[%add3A_181, %broadcast_in_dim3A_209, %gather3A] : memref<16x2x512xf32, #tpu.memory_space<vmem>>[vector<16xi32>, vector<16xi32>, vector<16xi32>], vector<16xf32>,
        %gather3A_211 = tpu.vector_load_idx %arg18[%add3A_181, %broadcast_in_dim3A_209, %gather3A_120] : memref<16x2x128xf32, #tpu.memory_space<vmem>>[vector<16xi32>, vector<16xi32>, vector<16xi32>], vector<16xf32>,
        %ne3A_212 = arith.constant -1.000000e+04 : f32
        %ne3A_213 = vector.broadcast %ne3A_212 : f32 to vector<16xf32>
        %ne3A_214 = arith.cmpf one, %gather3A_211, %ne3A_213 : vector<16xf32>
        %jit3A_215 = arith.constant 1.000000e+00 : f32
        %jit3A_216 = arith.constant 0.000000e+00 : f32
        %broadcast_in_dim3A_217 = vector.broadcast %jit3A_215 : f32 to vector<16xf32>
        %broadcast_in_dim3A_218 = vector.broadcast %jit3A_216 : f32 to vector<16xf32>
        %select_n3A_219 = arith.select %ne3A_214, %broadcast_in_dim3A_217, %broadcast_in_dim3A_218 : vector<16xi1>, vector<16xf32>
        %sub3A_220 = arith.subf %gather3A_210, %gather3A_211 : vector<16xf32>
        %abs3A_221 = math.absf %sub3A_220 : vector<16xf32>
        %mul3A_222 = arith.mulf %abs3A_221, %select_n3A_219 : vector<16xf32>
        %add3A_223 = arith.addf %add3A_206, %mul3A_222 : vector<16xf32>
        %add3A_224 = arith.addf %add3A_207, %select_n3A_219 : vector<16xf32>
        scf.yield %add3A_223, %add3A_224 : vector<16xf32>, vector<16xf32>
      }
      %scan3A_126 = arith.constant 16 : i32
      scf.yield %scan3A_125#0, %scan3A_125#1 : vector<16xf32>, vector<16xf32>
    }
    %scan3A_85 = arith.constant 8 : i32
    %mul3A_86 = arith.constant 128 : i32
    %mul3A_87 = arith.muli %select_n3A, %mul3A_86 : i32
    %dma_start3A_88 = tpu.memref_slice %arg9[%mul3A_32, %mul3A_87] : memref<64x1024xf32, #tpu.memory_space<hbm>> -> memref<16x128xf32, #tpu.memory_space<hbm>>
    %dma_start3A_89 = tpu.memref_slice %arg9[%mul3A_32, %mul3A_87] : memref<64x1024xf32, #tpu.memory_space<hbm>> -> memref<16x128xf32, #tpu.memory_space<hbm>>
    tpu.enqueue_dma source(%arg20 : memref<16x128xf32, #tpu.memory_space<vmem>>) target(%dma_start3A_89 : memref<16x128xf32, #tpu.memory_space<hbm>>) target_semaphore(%arg25 : memref<!tpu.dma_semaphore, #tpu.memory_space<semaphore_mem>>)
    %lt3A_90 = arith.constant 8 : i32
    %lt3A_91 = arith.cmpi slt, %add3A, %lt3A_90 : i32
    %convert_element_type3A_92 = arith.extui %lt3A_91 : i1 to i32
    %cond3A_93 = arith.constant 0 : i32
    %cond3A_94 = arith.cmpi ne, %convert_element_type3A_92, %cond3A_93 : i32
    scf.if %cond3A_94 {
      %jit3A_112 = arith.constant 8 : i32
      %eq3A_113 = arith.constant 0 : i32
      %eq3A_114 = arith.cmpi eq, %jit3A_112, %eq3A_113 : i32
      %jit3A_115 = arith.constant 1 : i32
      %select_n3A_116 = arith.select %eq3A_114, %jit3A_115, %jit3A_112 : i32
      %rem3A_117 = arith.remsi %add3A, %select_n3A_116 : i32
      %ne3A_118 = arith.constant 0 : i32
      %ne3A_119 = arith.cmpi ne, %rem3A_117, %ne3A_118 : i32
      %lt3A_120 = arith.constant 0 : i32
      %lt3A_121 = arith.cmpi slt, %rem3A_117, %lt3A_120 : i32
      %lt3A_122 = arith.constant 0 : i32
      %lt3A_123 = arith.cmpi slt, %select_n3A_116, %lt3A_122 : i32
      %ne3A_124 = arith.xori %lt3A_121, %lt3A_123 : i1
      %and3A_125 = arith.andi %ne3A_124, %ne3A_119 : i1
      %add3A_126 = arith.addi %rem3A_117, %select_n3A_116 : i32
      %select_n3A_127 = arith.select %and3A_125, %add3A_126, %rem3A_117 : i32
      %scan3A_128 = arith.constant 0 : i32
      %scan3A_129 = arith.constant 0 : i32
      %scan3A_130 = arith.constant 8 : i32
      %scan3A_131 = arith.addi %scan3A_129, %scan3A_130 : i32
      %scan3A_132 = arith.constant 1 : i32
      %scan3A_133 = scf.for %scan3A_145 = %scan3A_129 to %scan3A_131 step %scan3A_132 iter_args(%scan3A_146 = %scan3A_128) -> (i32)  : i32 {
        %mul3A_147 = arith.constant 16 : i32
        %mul3A_148 = arith.muli %scan3A_145, %mul3A_147 : i32
        %add3A_149 = vector.broadcast %mul3A_148 : i32 to vector<16xi32>
        %add3A_150 = arith.addi %iota3A, %add3A_149 : vector<16xi32>
        %broadcast_in_dim3A_151 = vector.broadcast %select_n3A_127 : i32 to vector<16xi32>
        %gather3A = tpu.vector_load_idx %arg13[%broadcast_in_dim3A_151, %add3A_150] : memref<8x128xi32, #tpu.memory_space<vmem>>[vector<16xi32>, vector<16xi32>], vector<16xi32>,
        %broadcast_in_dim3A_152 = arith.constant 0 : i32
        %broadcast_in_dim3A_153 = vector.broadcast %broadcast_in_dim3A_152 : i32 to vector<16xi32>
        %gather3A_154 = tpu.vector_load_idx %arg19[%broadcast_in_dim3A_153, %gather3A] : memref<5x512xf32, #tpu.memory_space<vmem>>[vector<16xi32>, vector<16xi32>], vector<16xf32>,
        tpu.vector_store_idx %arg21[%broadcast_in_dim3A_153, %add3A_150], %gather3A_154 : memref<5x128xf32, #tpu.memory_space<vmem>>[vector<16xi32>, vector<16xi32>], vector<16xf32>,
        %broadcast_in_dim3A_155 = arith.constant 1 : i32
        %broadcast_in_dim3A_156 = vector.broadcast %broadcast_in_dim3A_155 : i32 to vector<16xi32>
        %gather3A_157 = tpu.vector_load_idx %arg19[%broadcast_in_dim3A_156, %gather3A] : memref<5x512xf32, #tpu.memory_space<vmem>>[vector<16xi32>, vector<16xi32>], vector<16xf32>,
        tpu.vector_store_idx %arg21[%broadcast_in_dim3A_156, %add3A_150], %gather3A_157 : memref<5x128xf32, #tpu.memory_space<vmem>>[vector<16xi32>, vector<16xi32>], vector<16xf32>,
        %broadcast_in_dim3A_158 = arith.constant 2 : i32
        %broadcast_in_dim3A_159 = vector.broadcast %broadcast_in_dim3A_158 : i32 to vector<16xi32>
        %gather3A_160 = tpu.vector_load_idx %arg19[%broadcast_in_dim3A_159, %gather3A] : memref<5x512xf32, #tpu.memory_space<vmem>>[vector<16xi32>, vector<16xi32>], vector<16xf32>,
        tpu.vector_store_idx %arg21[%broadcast_in_dim3A_159, %add3A_150], %gather3A_160 : memref<5x128xf32, #tpu.memory_space<vmem>>[vector<16xi32>, vector<16xi32>], vector<16xf32>,
        %broadcast_in_dim3A_161 = arith.constant 3 : i32
        %broadcast_in_dim3A_162 = vector.broadcast %broadcast_in_dim3A_161 : i32 to vector<16xi32>
        %gather3A_163 = tpu.vector_load_idx %arg19[%broadcast_in_dim3A_162, %gather3A] : memref<5x512xf32, #tpu.memory_space<vmem>>[vector<16xi32>, vector<16xi32>], vector<16xf32>,
        tpu.vector_store_idx %arg21[%broadcast_in_dim3A_162, %add3A_150], %gather3A_163 : memref<5x128xf32, #tpu.memory_space<vmem>>[vector<16xi32>, vector<16xi32>], vector<16xf32>,
        %broadcast_in_dim3A_164 = arith.constant 4 : i32
        %broadcast_in_dim3A_165 = vector.broadcast %broadcast_in_dim3A_164 : i32 to vector<16xi32>
        %gather3A_166 = tpu.vector_load_idx %arg19[%broadcast_in_dim3A_165, %gather3A] : memref<5x512xf32, #tpu.memory_space<vmem>>[vector<16xi32>, vector<16xi32>], vector<16xf32>,
        tpu.vector_store_idx %arg21[%broadcast_in_dim3A_165, %add3A_150], %gather3A_166 : memref<5x128xf32, #tpu.memory_space<vmem>>[vector<16xi32>, vector<16xi32>], vector<16xf32>,
        %scan3A_167 = arith.constant 0 : i32
        scf.yield %scan3A_167 : i32
      }
      %scan3A_134 = arith.constant 8 : i32
      %mul3A_135 = arith.constant 128 : i32
      %mul3A_136 = arith.muli %select_n3A_127, %mul3A_135 : i32
      %dma_start3A_137 = arith.constant 0 : i32
      %dma_start3A_138 = tpu.memref_slice %arg10[%dma_start3A_137, %mul3A_136] : memref<5x1024xf32, #tpu.memory_space<hbm>> -> memref<5x128xf32, #tpu.memory_space<hbm>>
      %dma_start3A_139 = arith.constant 0 : i32
      %dma_start3A_140 = tpu.memref_slice %arg10[%dma_start3A_139, %mul3A_136] : memref<5x1024xf32, #tpu.memory_space<hbm>> -> memref<5x128xf32, #tpu.memory_space<hbm>>
      tpu.enqueue_dma source(%arg21 : memref<5x128xf32, #tpu.memory_space<vmem>>) target(%dma_start3A_140 : memref<5x128xf32, #tpu.memory_space<hbm>>) target_semaphore(%arg25 : memref<!tpu.dma_semaphore, #tpu.memory_space<semaphore_mem>>)
      %dma_wait3A_141 = arith.constant 0 : i32
      %dma_wait3A_142 = tpu.memref_slice %arg10[%dma_wait3A_141, %mul3A_136] : memref<5x1024xf32, #tpu.memory_space<hbm>> -> memref<5x128xf32, #tpu.memory_space<hbm>>
      %dma_wait3A_143 = arith.constant 0 : i32
      %dma_wait3A_144 = tpu.memref_slice %arg10[%dma_wait3A_143, %mul3A_136] : memref<5x1024xf32, #tpu.memory_space<hbm>> -> memref<5x128xf32, #tpu.memory_space<hbm>>
      tpu.wait_dma2 semaphore(%arg25 : memref<!tpu.dma_semaphore, #tpu.memory_space<semaphore_mem>>) src(%arg21 : memref<5x128xf32, #tpu.memory_space<vmem>>) dst(%dma_wait3A_144 : memref<5x128xf32, #tpu.memory_space<hbm>>)
    } else {
    }
    %swap3A = arith.constant 0 : index
    %swap3A_95 = tpu.vector_load %arg22[%swap3A] {strides = array<i32>} : memref<16xf32, #tpu.memory_space<vmem>>, vector<16xf32>,
    tpu.vector_store %arg22[%swap3A], %scan3A_84#0 {strides = array<i32>} : memref<16xf32, #tpu.memory_space<vmem>>, vector<16xf32>,
    %swap3A_96 = arith.constant 0 : index
    %swap3A_97 = tpu.vector_load %arg23[%swap3A_96] {strides = array<i32>} : memref<16xf32, #tpu.memory_space<vmem>>, vector<16xf32>,
    tpu.vector_store %arg23[%swap3A_96], %scan3A_84#1 {strides = array<i32>} : memref<16xf32, #tpu.memory_space<vmem>>, vector<16xf32>,
    %mul3A_98 = arith.constant 16 : i32
    %mul3A_99 = arith.muli %add3A, %mul3A_98 : i32
    %dma_start3A_100 = tpu.memref_slice %arg11[%mul3A_99] : memref<512xf32, #tpu.memory_space<hbm>> -> memref<16xf32, #tpu.memory_space<hbm>>
    %dma_start3A_101 = tpu.memref_slice %arg11[%mul3A_99] : memref<512xf32, #tpu.memory_space<hbm>> -> memref<16xf32, #tpu.memory_space<hbm>>
    tpu.enqueue_dma source(%arg22 : memref<16xf32, #tpu.memory_space<vmem>>) target(%dma_start3A_101 : memref<16xf32, #tpu.memory_space<hbm>>) target_semaphore(%arg25 : memref<!tpu.dma_semaphore, #tpu.memory_space<semaphore_mem>>)
    %mul3A_102 = arith.constant 16 : i32
    %mul3A_103 = arith.muli %add3A, %mul3A_102 : i32
    %dma_start3A_104 = tpu.memref_slice %arg12[%mul3A_103] : memref<512xf32, #tpu.memory_space<hbm>> -> memref<16xf32, #tpu.memory_space<hbm>>
    %dma_start3A_105 = tpu.memref_slice %arg12[%mul3A_103] : memref<512xf32, #tpu.memory_space<hbm>> -> memref<16xf32, #tpu.memory_space<hbm>>
    tpu.enqueue_dma source(%arg23 : memref<16xf32, #tpu.memory_space<vmem>>) target(%dma_start3A_105 : memref<16xf32, #tpu.memory_space<hbm>>) target_semaphore(%arg25 : memref<!tpu.dma_semaphore, #tpu.memory_space<semaphore_mem>>)
    %dma_wait3A_106 = tpu.memref_slice %arg9[%mul3A_32, %mul3A_87] : memref<64x1024xf32, #tpu.memory_space<hbm>> -> memref<16x128xf32, #tpu.memory_space<hbm>>
    %dma_wait3A_107 = tpu.memref_slice %arg9[%mul3A_32, %mul3A_87] : memref<64x1024xf32, #tpu.memory_space<hbm>> -> memref<16x128xf32, #tpu.memory_space<hbm>>
    tpu.wait_dma2 semaphore(%arg25 : memref<!tpu.dma_semaphore, #tpu.memory_space<semaphore_mem>>) src(%arg20 : memref<16x128xf32, #tpu.memory_space<vmem>>) dst(%dma_wait3A_107 : memref<16x128xf32, #tpu.memory_space<hbm>>)
    %dma_wait3A_108 = tpu.memref_slice %arg11[%mul3A_99] : memref<512xf32, #tpu.memory_space<hbm>> -> memref<16xf32, #tpu.memory_space<hbm>>
    %dma_wait3A_109 = tpu.memref_slice %arg11[%mul3A_99] : memref<512xf32, #tpu.memory_space<hbm>> -> memref<16xf32, #tpu.memory_space<hbm>>
    tpu.wait_dma2 semaphore(%arg25 : memref<!tpu.dma_semaphore, #tpu.memory_space<semaphore_mem>>) src(%arg22 : memref<16xf32, #tpu.memory_space<vmem>>) dst(%dma_wait3A_109 : memref<16xf32, #tpu.memory_space<hbm>>)
    %dma_wait3A_110 = tpu.memref_slice %arg12[%mul3A_103] : memref<512xf32, #tpu.memory_space<hbm>> -> memref<16xf32, #tpu.memory_space<hbm>>
    %dma_wait3A_111 = tpu.memref_slice %arg12[%mul3A_103] : memref<512xf32, #tpu.memory_space<hbm>> -> memref<16xf32, #tpu.memory_space<hbm>>
    tpu.wait_dma2 semaphore(%arg25 : memref<!tpu.dma_semaphore, #tpu.memory_space<semaphore_mem>>) src(%arg23 : memref<16xf32, #tpu.memory_space<vmem>>) dst(%dma_wait3A_111 : memref<16xf32, #tpu.memory_space<hbm>>)
    return
  }
}

module attributes {stable_mosaic.version = 14 : i64} {
  func.func @_tc_a_body(%arg0: memref<5x8x512xf32, #tpu.memory_space<vmem>>, %arg1: memref<1x1024xi32, #tpu.memory_space<vmem>>, %arg2: memref<1x1024xi32, #tpu.memory_space<vmem>>, %arg3: memref<1x1024xi32, #tpu.memory_space<vmem>>, %arg4: memref<1x1xf32, #tpu.memory_space<vmem>>, %arg5: memref<8x128xf32, #tpu.memory_space<vmem>>, %arg6: memref<8x128xf32, #tpu.memory_space<vmem>>) attributes {dimension_semantics = [], scalar_prefetch = 0 : i64, scratch_operands = 0 : i64, tpu.core_type = #tpu.core_type<tc>} {
    %iota3A = tpu.iota {dimensions = array<i32: 0>} : vector<128x128xi32>
    %iota3A_0 = tpu.iota {dimensions = array<i32: 1>} : vector<128x128xi32>
    %eq3A = arith.cmpi eq, %iota3A, %iota3A_0 : vector<128x128xi32>
    %get3A = arith.constant 0 : index
    %get3A_1 = arith.constant 0 : index
    %get3A_2 = arith.constant 0 : index
    %get3A_3 = vector.load %arg0[%get3A, %get3A_1, %get3A_2] : memref<5x8x512xf32, #tpu.memory_space<vmem>>, vector<5x8x512xf32>
    %slice3A = vector.extract_strided_slice %get3A_3 {offsets = [4, 0, 0], sizes = [1, 8, 512], strides = [1, 1, 1]} : vector<5x8x512xf32> to vector<1x8x512xf32>
    %reduce_max3A = arith.constant dense<0xFF800000> : vector<8x512xf32>
    %reduce_max3A_4 = vector.multi_reduction <maximumf>, %get3A_3, %reduce_max3A [0] : vector<5x8x512xf32> to vector<8x512xf32>
    %broadcast_in_dim3A = vector.shape_cast %reduce_max3A_4 : vector<8x512xf32> to vector<1x8x512xf32>
    %sub3A = vector.broadcast %broadcast_in_dim3A : vector<1x8x512xf32> to vector<5x8x512xf32>
    %sub3A_5 = arith.subf %get3A_3, %sub3A : vector<5x8x512xf32>
    %exp3A = math.exp %sub3A_5 : vector<5x8x512xf32>
    %reduce_sum3A = arith.constant dense<0.000000e+00> : vector<8x512xf32>
    %reduce_sum3A_6 = vector.multi_reduction <add>, %exp3A, %reduce_sum3A [0] : vector<5x8x512xf32> to vector<8x512xf32>
    %broadcast_in_dim3A_7 = vector.shape_cast %reduce_sum3A_6 : vector<8x512xf32> to vector<1x8x512xf32>
    %log3A = math.log %broadcast_in_dim3A_7 : vector<1x8x512xf32>
    %add3A = arith.addf %log3A, %broadcast_in_dim3A : vector<1x8x512xf32>
    %sub3A_8 = arith.subf %slice3A, %add3A : vector<1x8x512xf32>
    %exp3A_9 = math.exp %sub3A_8 : vector<1x8x512xf32>
    %sub3A_10 = arith.constant 1.000000e+00 : f32
    %sub3A_11 = vector.broadcast %sub3A_10 : f32 to vector<1x8x512xf32>
    %sub3A_12 = arith.subf %sub3A_11, %exp3A_9 : vector<1x8x512xf32>
    %mul3A = arith.constant -7.500000e-01 : f32
    %mul3A_13 = vector.broadcast %mul3A : f32 to vector<1x8x512xf32>
    %mul3A_14 = arith.mulf %mul3A_13, %sub3A_12 : vector<1x8x512xf32>
    %sub3A_15 = arith.constant 1.000000e+00 : f32
    %sub3A_16 = vector.broadcast %sub3A_15 : f32 to vector<1x8x512xf32>
    %sub3A_17 = arith.subf %sub3A_16, %exp3A_9 : vector<1x8x512xf32>
    %mul3A_18 = arith.mulf %mul3A_14, %sub3A_17 : vector<1x8x512xf32>
    %mul3A_19 = arith.mulf %mul3A_18, %sub3A_8 : vector<1x8x512xf32>
    %reduce_sum3A_20 = vector.shape_cast %mul3A_19 : vector<1x8x512xf32> to vector<1x1x8x512xf32>
    %reduce_sum3A_21 = arith.constant dense<0.000000e+00> : vector<1xf32>
    %reduce_sum3A_22 = vector.multi_reduction <add>, %reduce_sum3A_20, %reduce_sum3A_21 [1, 2, 3] : vector<1x1x8x512xf32> to vector<1xf32>
    %reduce_sum3A_23 = vector.shape_cast %reduce_sum3A_22 : vector<1xf32> to vector<1x1x1x1xf32>
    %reduce_sum3A_24 = vector.extract %reduce_sum3A_23[0, 0, 0, 0] : f32 from vector<1x1x1x1xf32>
    %reshape3A = vector.broadcast %reduce_sum3A_24 : f32 to vector<1x1xf32>
    %swap3A = arith.constant 0 : index
    %swap3A_25 = arith.constant 0 : index
    %swap3A_26 = vector.load %arg4[%swap3A, %swap3A_25] : memref<1x1xf32, #tpu.memory_space<vmem>>, vector<1x1xf32>
    tpu.vector_store %arg4[%swap3A, %swap3A_25], %reshape3A {strides = array<i32>} : memref<1x1xf32, #tpu.memory_space<vmem>>, vector<1x1xf32>,
    %iota3A_27 = tpu.iota {dimensions = array<i32: 0>} : vector<128x128xi32>
    %iota3A_28 = tpu.iota {dimensions = array<i32: 1>} : vector<128x128xi32>
    %get3A_29 = arith.constant 0 : index
    %get3A_30 = arith.constant 0 : index
    %get3A_31 = vector.load %arg1[%get3A_29, %get3A_30] : memref<1x1024xi32, #tpu.memory_space<vmem>>, vector<1x128xi32>
    %jit3A = arith.constant 0 : i32
    %broadcast_in_dim3A_32 = vector.shape_cast %get3A_31 : vector<1x128xi32> to vector<1x128xi32>
    %broadcast_in_dim3A_33 = vector.broadcast %broadcast_in_dim3A_32 : vector<1x128xi32> to vector<128x128xi32>
    %broadcast_in_dim3A_34 = vector.broadcast %jit3A : i32 to vector<128x128xi32>
    %select_n3A = arith.select %eq3A, %broadcast_in_dim3A_33, %broadcast_in_dim3A_34 : vector<128x128xi1>, vector<128x128xi32>
    %reduce_sum3A_35 = arith.constant dense<0> : vector<128xi32>
    %reduce_sum3A_36 = vector.multi_reduction <add>, %select_n3A, %reduce_sum3A_35 [1] : vector<128x128xi32> to vector<128xi32>
    %broadcast_in_dim3A_37 = vector.shape_cast %reduce_sum3A_36 : vector<128xi32> to vector<128x1xi32>
    %eq3A_38 = vector.broadcast %broadcast_in_dim3A_37 : vector<128x1xi32> to vector<128x128xi32>
    %eq3A_39 = vector.broadcast %get3A_31 : vector<1x128xi32> to vector<128x128xi32>
    %eq3A_40 = arith.cmpi eq, %eq3A_38, %eq3A_39 : vector<128x128xi32>
    %gt3A = arith.cmpi sgt, %iota3A_27, %iota3A_28 : vector<128x128xi32>
    %and3A = arith.andi %eq3A_40, %gt3A : vector<128x128xi1>
    %jit3A_41 = arith.constant 1 : i32
    %jit3A_42 = arith.constant 0 : i32
    %broadcast_in_dim3A_43 = vector.broadcast %jit3A_41 : i32 to vector<128x128xi32>
    %broadcast_in_dim3A_44 = vector.broadcast %jit3A_42 : i32 to vector<128x128xi32>
    %select_n3A_45 = arith.select %and3A, %broadcast_in_dim3A_43, %broadcast_in_dim3A_44 : vector<128x128xi1>, vector<128x128xi32>
    %reduce_max3A_46 = arith.constant dense<-2147483648> : vector<128xi32>
    %reduce_max3A_47 = vector.multi_reduction <maxsi>, %select_n3A_45, %reduce_max3A_46 [0] : vector<128x128xi32> to vector<128xi32>
    %broadcast_in_dim3A_48 = vector.shape_cast %reduce_max3A_47 : vector<128xi32> to vector<1x128xi32>
    %eq3A_49 = arith.constant 0 : i32
    %eq3A_50 = vector.broadcast %eq3A_49 : i32 to vector<1x128xi32>
    %eq3A_51 = arith.cmpi eq, %broadcast_in_dim3A_48, %eq3A_50 : vector<1x128xi32>
    %convert_element_type3A = arith.extui %eq3A_51 : vector<1x128xi1> to vector<1x128xi32>
    %convert_element_type3A_52 = arith.sitofp %convert_element_type3A : vector<1x128xi32> to vector<1x128xf32>
    %squeeze3A = vector.shape_cast %convert_element_type3A_52 : vector<1x128xf32> to vector<128xf32>
    %swap3A_53 = arith.constant 0 : index
    %swap3A_54 = arith.constant 0 : index
    %swap3A_55 = vector.load %arg5[%swap3A_53, %swap3A_54] : memref<8x128xf32, #tpu.memory_space<vmem>>, vector<1x128xf32>
    %swap3A_56 = vector.shape_cast %swap3A_55 : vector<1x128xf32> to vector<128xf32>
    %swap3A_57 = vector.shape_cast %squeeze3A : vector<128xf32> to vector<1x128xf32>
    tpu.vector_store %arg5[%swap3A_53, %swap3A_54], %swap3A_57 {strides = array<i32>} : memref<8x128xf32, #tpu.memory_space<vmem>>, vector<1x128xf32>,
    %get3A_58 = arith.constant 0 : index
    %get3A_59 = arith.constant 0 : index
    %get3A_60 = vector.load %arg2[%get3A_58, %get3A_59] : memref<1x1024xi32, #tpu.memory_space<vmem>>, vector<1x128xi32>
    %eq3A_61 = vector.broadcast %get3A_60 : vector<1x128xi32> to vector<128x128xi32>
    %eq3A_62 = arith.cmpi eq, %eq3A_61, %iota3A_27 : vector<128x128xi32>
    %get3A_63 = arith.constant 0 : index
    %get3A_64 = arith.constant 0 : index
    %get3A_65 = vector.load %arg3[%get3A_63, %get3A_64] : memref<1x1024xi32, #tpu.memory_space<vmem>>, vector<1x128xi32>
    %jit3A_66 = arith.constant 0 : i32
    %broadcast_in_dim3A_67 = vector.shape_cast %get3A_65 : vector<1x128xi32> to vector<1x128xi32>
    %broadcast_in_dim3A_68 = vector.broadcast %broadcast_in_dim3A_67 : vector<1x128xi32> to vector<128x128xi32>
    %broadcast_in_dim3A_69 = vector.broadcast %jit3A_66 : i32 to vector<128x128xi32>
    %select_n3A_70 = arith.select %eq3A, %broadcast_in_dim3A_68, %broadcast_in_dim3A_69 : vector<128x128xi1>, vector<128x128xi32>
    %reduce_sum3A_71 = arith.constant dense<0> : vector<128xi32>
    %reduce_sum3A_72 = vector.multi_reduction <add>, %select_n3A_70, %reduce_sum3A_71 [1] : vector<128x128xi32> to vector<128xi32>
    %broadcast_in_dim3A_73 = vector.shape_cast %reduce_sum3A_72 : vector<128xi32> to vector<128x1xi32>
    %convert_element_type3A_74 = arith.sitofp %broadcast_in_dim3A_73 : vector<128x1xi32> to vector<128x1xf32>
    %jit3A_75 = arith.constant 0.000000e+00 : f32
    %broadcast_in_dim3A_76 = vector.shape_cast %convert_element_type3A_74 : vector<128x1xf32> to vector<128x1xf32>
    %broadcast_in_dim3A_77 = vector.broadcast %broadcast_in_dim3A_76 : vector<128x1xf32> to vector<128x128xf32>
    %broadcast_in_dim3A_78 = vector.broadcast %jit3A_75 : f32 to vector<128x128xf32>
    %select_n3A_79 = arith.select %eq3A_62, %broadcast_in_dim3A_77, %broadcast_in_dim3A_78 : vector<128x128xi1>, vector<128x128xf32>
    %reduce_sum3A_80 = arith.constant dense<0.000000e+00> : vector<128xf32>
    %reduce_sum3A_81 = vector.multi_reduction <add>, %select_n3A_79, %reduce_sum3A_80 [0] : vector<128x128xf32> to vector<128xf32>
    %swap3A_82 = arith.constant 0 : index
    %swap3A_83 = arith.constant 0 : index
    %swap3A_84 = vector.load %arg6[%swap3A_82, %swap3A_83] : memref<8x128xf32, #tpu.memory_space<vmem>>, vector<1x128xf32>
    %swap3A_85 = vector.shape_cast %swap3A_84 : vector<1x128xf32> to vector<128xf32>
    %swap3A_86 = vector.shape_cast %reduce_sum3A_81 : vector<128xf32> to vector<1x128xf32>
    tpu.vector_store %arg6[%swap3A_82, %swap3A_83], %swap3A_86 {strides = array<i32>} : memref<8x128xf32, #tpu.memory_space<vmem>>, vector<1x128xf32>,
    %get3A_87 = arith.constant 0 : index
    %get3A_88 = arith.constant 128 : index
    %get3A_89 = vector.load %arg1[%get3A_87, %get3A_88] : memref<1x1024xi32, #tpu.memory_space<vmem>>, vector<1x128xi32>
    %jit3A_90 = arith.constant 0 : i32
    %broadcast_in_dim3A_91 = vector.shape_cast %get3A_89 : vector<1x128xi32> to vector<1x128xi32>
    %broadcast_in_dim3A_92 = vector.broadcast %broadcast_in_dim3A_91 : vector<1x128xi32> to vector<128x128xi32>
    %broadcast_in_dim3A_93 = vector.broadcast %jit3A_90 : i32 to vector<128x128xi32>
    %select_n3A_94 = arith.select %eq3A, %broadcast_in_dim3A_92, %broadcast_in_dim3A_93 : vector<128x128xi1>, vector<128x128xi32>
    %reduce_sum3A_95 = arith.constant dense<0> : vector<128xi32>
    %reduce_sum3A_96 = vector.multi_reduction <add>, %select_n3A_94, %reduce_sum3A_95 [1] : vector<128x128xi32> to vector<128xi32>
    %broadcast_in_dim3A_97 = vector.shape_cast %reduce_sum3A_96 : vector<128xi32> to vector<128x1xi32>
    %eq3A_98 = vector.broadcast %broadcast_in_dim3A_97 : vector<128x1xi32> to vector<128x128xi32>
    %eq3A_99 = vector.broadcast %get3A_89 : vector<1x128xi32> to vector<128x128xi32>
    %eq3A_100 = arith.cmpi eq, %eq3A_98, %eq3A_99 : vector<128x128xi32>
    %gt3A_101 = arith.cmpi sgt, %iota3A_27, %iota3A_28 : vector<128x128xi32>
    %and3A_102 = arith.andi %eq3A_100, %gt3A_101 : vector<128x128xi1>
    %jit3A_103 = arith.constant 1 : i32
    %jit3A_104 = arith.constant 0 : i32
    %broadcast_in_dim3A_105 = vector.broadcast %jit3A_103 : i32 to vector<128x128xi32>
    %broadcast_in_dim3A_106 = vector.broadcast %jit3A_104 : i32 to vector<128x128xi32>
    %select_n3A_107 = arith.select %and3A_102, %broadcast_in_dim3A_105, %broadcast_in_dim3A_106 : vector<128x128xi1>, vector<128x128xi32>
    %reduce_max3A_108 = arith.constant dense<-2147483648> : vector<128xi32>
    %reduce_max3A_109 = vector.multi_reduction <maxsi>, %select_n3A_107, %reduce_max3A_108 [0] : vector<128x128xi32> to vector<128xi32>
    %broadcast_in_dim3A_110 = vector.shape_cast %reduce_max3A_109 : vector<128xi32> to vector<1x128xi32>
    %eq3A_111 = arith.constant 0 : i32
    %eq3A_112 = vector.broadcast %eq3A_111 : i32 to vector<1x128xi32>
    %eq3A_113 = arith.cmpi eq, %broadcast_in_dim3A_110, %eq3A_112 : vector<1x128xi32>
    %convert_element_type3A_114 = arith.extui %eq3A_113 : vector<1x128xi1> to vector<1x128xi32>
    %convert_element_type3A_115 = arith.sitofp %convert_element_type3A_114 : vector<1x128xi32> to vector<1x128xf32>
    %squeeze3A_116 = vector.shape_cast %convert_element_type3A_115 : vector<1x128xf32> to vector<128xf32>
    %swap3A_117 = arith.constant 1 : index
    %swap3A_118 = arith.constant 0 : index
    %swap3A_119 = vector.load %arg5[%swap3A_117, %swap3A_118] : memref<8x128xf32, #tpu.memory_space<vmem>>, vector<1x128xf32>
    %swap3A_120 = vector.shape_cast %swap3A_119 : vector<1x128xf32> to vector<128xf32>
    %swap3A_121 = vector.shape_cast %squeeze3A_116 : vector<128xf32> to vector<1x128xf32>
    tpu.vector_store %arg5[%swap3A_117, %swap3A_118], %swap3A_121 {strides = array<i32>} : memref<8x128xf32, #tpu.memory_space<vmem>>, vector<1x128xf32>,
    %get3A_122 = arith.constant 0 : index
    %get3A_123 = arith.constant 128 : index
    %get3A_124 = vector.load %arg2[%get3A_122, %get3A_123] : memref<1x1024xi32, #tpu.memory_space<vmem>>, vector<1x128xi32>
    %eq3A_125 = vector.broadcast %get3A_124 : vector<1x128xi32> to vector<128x128xi32>
    %eq3A_126 = arith.cmpi eq, %eq3A_125, %iota3A_27 : vector<128x128xi32>
    %get3A_127 = arith.constant 0 : index
    %get3A_128 = arith.constant 128 : index
    %get3A_129 = vector.load %arg3[%get3A_127, %get3A_128] : memref<1x1024xi32, #tpu.memory_space<vmem>>, vector<1x128xi32>
    %jit3A_130 = arith.constant 0 : i32
    %broadcast_in_dim3A_131 = vector.shape_cast %get3A_129 : vector<1x128xi32> to vector<1x128xi32>
    %broadcast_in_dim3A_132 = vector.broadcast %broadcast_in_dim3A_131 : vector<1x128xi32> to vector<128x128xi32>
    %broadcast_in_dim3A_133 = vector.broadcast %jit3A_130 : i32 to vector<128x128xi32>
    %select_n3A_134 = arith.select %eq3A, %broadcast_in_dim3A_132, %broadcast_in_dim3A_133 : vector<128x128xi1>, vector<128x128xi32>
    %reduce_sum3A_135 = arith.constant dense<0> : vector<128xi32>
    %reduce_sum3A_136 = vector.multi_reduction <add>, %select_n3A_134, %reduce_sum3A_135 [1] : vector<128x128xi32> to vector<128xi32>
    %broadcast_in_dim3A_137 = vector.shape_cast %reduce_sum3A_136 : vector<128xi32> to vector<128x1xi32>
    %convert_element_type3A_138 = arith.sitofp %broadcast_in_dim3A_137 : vector<128x1xi32> to vector<128x1xf32>
    %jit3A_139 = arith.constant 0.000000e+00 : f32
    %broadcast_in_dim3A_140 = vector.shape_cast %convert_element_type3A_138 : vector<128x1xf32> to vector<128x1xf32>
    %broadcast_in_dim3A_141 = vector.broadcast %broadcast_in_dim3A_140 : vector<128x1xf32> to vector<128x128xf32>
    %broadcast_in_dim3A_142 = vector.broadcast %jit3A_139 : f32 to vector<128x128xf32>
    %select_n3A_143 = arith.select %eq3A_126, %broadcast_in_dim3A_141, %broadcast_in_dim3A_142 : vector<128x128xi1>, vector<128x128xf32>
    %reduce_sum3A_144 = arith.constant dense<0.000000e+00> : vector<128xf32>
    %reduce_sum3A_145 = vector.multi_reduction <add>, %select_n3A_143, %reduce_sum3A_144 [0] : vector<128x128xf32> to vector<128xf32>
    %swap3A_146 = arith.constant 1 : index
    %swap3A_147 = arith.constant 0 : index
    %swap3A_148 = vector.load %arg6[%swap3A_146, %swap3A_147] : memref<8x128xf32, #tpu.memory_space<vmem>>, vector<1x128xf32>
    %swap3A_149 = vector.shape_cast %swap3A_148 : vector<1x128xf32> to vector<128xf32>
    %swap3A_150 = vector.shape_cast %reduce_sum3A_145 : vector<128xf32> to vector<1x128xf32>
    tpu.vector_store %arg6[%swap3A_146, %swap3A_147], %swap3A_150 {strides = array<i32>} : memref<8x128xf32, #tpu.memory_space<vmem>>, vector<1x128xf32>,
    %get3A_151 = arith.constant 0 : index
    %get3A_152 = arith.constant 256 : index
    %get3A_153 = vector.load %arg1[%get3A_151, %get3A_152] : memref<1x1024xi32, #tpu.memory_space<vmem>>, vector<1x128xi32>
    %jit3A_154 = arith.constant 0 : i32
    %broadcast_in_dim3A_155 = vector.shape_cast %get3A_153 : vector<1x128xi32> to vector<1x128xi32>
    %broadcast_in_dim3A_156 = vector.broadcast %broadcast_in_dim3A_155 : vector<1x128xi32> to vector<128x128xi32>
    %broadcast_in_dim3A_157 = vector.broadcast %jit3A_154 : i32 to vector<128x128xi32>
    %select_n3A_158 = arith.select %eq3A, %broadcast_in_dim3A_156, %broadcast_in_dim3A_157 : vector<128x128xi1>, vector<128x128xi32>
    %reduce_sum3A_159 = arith.constant dense<0> : vector<128xi32>
    %reduce_sum3A_160 = vector.multi_reduction <add>, %select_n3A_158, %reduce_sum3A_159 [1] : vector<128x128xi32> to vector<128xi32>
    %broadcast_in_dim3A_161 = vector.shape_cast %reduce_sum3A_160 : vector<128xi32> to vector<128x1xi32>
    %eq3A_162 = vector.broadcast %broadcast_in_dim3A_161 : vector<128x1xi32> to vector<128x128xi32>
    %eq3A_163 = vector.broadcast %get3A_153 : vector<1x128xi32> to vector<128x128xi32>
    %eq3A_164 = arith.cmpi eq, %eq3A_162, %eq3A_163 : vector<128x128xi32>
    %gt3A_165 = arith.cmpi sgt, %iota3A_27, %iota3A_28 : vector<128x128xi32>
    %and3A_166 = arith.andi %eq3A_164, %gt3A_165 : vector<128x128xi1>
    %jit3A_167 = arith.constant 1 : i32
    %jit3A_168 = arith.constant 0 : i32
    %broadcast_in_dim3A_169 = vector.broadcast %jit3A_167 : i32 to vector<128x128xi32>
    %broadcast_in_dim3A_170 = vector.broadcast %jit3A_168 : i32 to vector<128x128xi32>
    %select_n3A_171 = arith.select %and3A_166, %broadcast_in_dim3A_169, %broadcast_in_dim3A_170 : vector<128x128xi1>, vector<128x128xi32>
    %reduce_max3A_172 = arith.constant dense<-2147483648> : vector<128xi32>
    %reduce_max3A_173 = vector.multi_reduction <maxsi>, %select_n3A_171, %reduce_max3A_172 [0] : vector<128x128xi32> to vector<128xi32>
    %broadcast_in_dim3A_174 = vector.shape_cast %reduce_max3A_173 : vector<128xi32> to vector<1x128xi32>
    %eq3A_175 = arith.constant 0 : i32
    %eq3A_176 = vector.broadcast %eq3A_175 : i32 to vector<1x128xi32>
    %eq3A_177 = arith.cmpi eq, %broadcast_in_dim3A_174, %eq3A_176 : vector<1x128xi32>
    %convert_element_type3A_178 = arith.extui %eq3A_177 : vector<1x128xi1> to vector<1x128xi32>
    %convert_element_type3A_179 = arith.sitofp %convert_element_type3A_178 : vector<1x128xi32> to vector<1x128xf32>
    %squeeze3A_180 = vector.shape_cast %convert_element_type3A_179 : vector<1x128xf32> to vector<128xf32>
    %swap3A_181 = arith.constant 2 : index
    %swap3A_182 = arith.constant 0 : index
    %swap3A_183 = vector.load %arg5[%swap3A_181, %swap3A_182] : memref<8x128xf32, #tpu.memory_space<vmem>>, vector<1x128xf32>
    %swap3A_184 = vector.shape_cast %swap3A_183 : vector<1x128xf32> to vector<128xf32>
    %swap3A_185 = vector.shape_cast %squeeze3A_180 : vector<128xf32> to vector<1x128xf32>
    tpu.vector_store %arg5[%swap3A_181, %swap3A_182], %swap3A_185 {strides = array<i32>} : memref<8x128xf32, #tpu.memory_space<vmem>>, vector<1x128xf32>,
    %get3A_186 = arith.constant 0 : index
    %get3A_187 = arith.constant 256 : index
    %get3A_188 = vector.load %arg2[%get3A_186, %get3A_187] : memref<1x1024xi32, #tpu.memory_space<vmem>>, vector<1x128xi32>
    %eq3A_189 = vector.broadcast %get3A_188 : vector<1x128xi32> to vector<128x128xi32>
    %eq3A_190 = arith.cmpi eq, %eq3A_189, %iota3A_27 : vector<128x128xi32>
    %get3A_191 = arith.constant 0 : index
    %get3A_192 = arith.constant 256 : index
    %get3A_193 = vector.load %arg3[%get3A_191, %get3A_192] : memref<1x1024xi32, #tpu.memory_space<vmem>>, vector<1x128xi32>
    %jit3A_194 = arith.constant 0 : i32
    %broadcast_in_dim3A_195 = vector.shape_cast %get3A_193 : vector<1x128xi32> to vector<1x128xi32>
    %broadcast_in_dim3A_196 = vector.broadcast %broadcast_in_dim3A_195 : vector<1x128xi32> to vector<128x128xi32>
    %broadcast_in_dim3A_197 = vector.broadcast %jit3A_194 : i32 to vector<128x128xi32>
    %select_n3A_198 = arith.select %eq3A, %broadcast_in_dim3A_196, %broadcast_in_dim3A_197 : vector<128x128xi1>, vector<128x128xi32>
    %reduce_sum3A_199 = arith.constant dense<0> : vector<128xi32>
    %reduce_sum3A_200 = vector.multi_reduction <add>, %select_n3A_198, %reduce_sum3A_199 [1] : vector<128x128xi32> to vector<128xi32>
    %broadcast_in_dim3A_201 = vector.shape_cast %reduce_sum3A_200 : vector<128xi32> to vector<128x1xi32>
    %convert_element_type3A_202 = arith.sitofp %broadcast_in_dim3A_201 : vector<128x1xi32> to vector<128x1xf32>
    %jit3A_203 = arith.constant 0.000000e+00 : f32
    %broadcast_in_dim3A_204 = vector.shape_cast %convert_element_type3A_202 : vector<128x1xf32> to vector<128x1xf32>
    %broadcast_in_dim3A_205 = vector.broadcast %broadcast_in_dim3A_204 : vector<128x1xf32> to vector<128x128xf32>
    %broadcast_in_dim3A_206 = vector.broadcast %jit3A_203 : f32 to vector<128x128xf32>
    %select_n3A_207 = arith.select %eq3A_190, %broadcast_in_dim3A_205, %broadcast_in_dim3A_206 : vector<128x128xi1>, vector<128x128xf32>
    %reduce_sum3A_208 = arith.constant dense<0.000000e+00> : vector<128xf32>
    %reduce_sum3A_209 = vector.multi_reduction <add>, %select_n3A_207, %reduce_sum3A_208 [0] : vector<128x128xf32> to vector<128xf32>
    %swap3A_210 = arith.constant 2 : index
    %swap3A_211 = arith.constant 0 : index
    %swap3A_212 = vector.load %arg6[%swap3A_210, %swap3A_211] : memref<8x128xf32, #tpu.memory_space<vmem>>, vector<1x128xf32>
    %swap3A_213 = vector.shape_cast %swap3A_212 : vector<1x128xf32> to vector<128xf32>
    %swap3A_214 = vector.shape_cast %reduce_sum3A_209 : vector<128xf32> to vector<1x128xf32>
    tpu.vector_store %arg6[%swap3A_210, %swap3A_211], %swap3A_214 {strides = array<i32>} : memref<8x128xf32, #tpu.memory_space<vmem>>, vector<1x128xf32>,
    %get3A_215 = arith.constant 0 : index
    %get3A_216 = arith.constant 384 : index
    %get3A_217 = vector.load %arg1[%get3A_215, %get3A_216] : memref<1x1024xi32, #tpu.memory_space<vmem>>, vector<1x128xi32>
    %jit3A_218 = arith.constant 0 : i32
    %broadcast_in_dim3A_219 = vector.shape_cast %get3A_217 : vector<1x128xi32> to vector<1x128xi32>
    %broadcast_in_dim3A_220 = vector.broadcast %broadcast_in_dim3A_219 : vector<1x128xi32> to vector<128x128xi32>
    %broadcast_in_dim3A_221 = vector.broadcast %jit3A_218 : i32 to vector<128x128xi32>
    %select_n3A_222 = arith.select %eq3A, %broadcast_in_dim3A_220, %broadcast_in_dim3A_221 : vector<128x128xi1>, vector<128x128xi32>
    %reduce_sum3A_223 = arith.constant dense<0> : vector<128xi32>
    %reduce_sum3A_224 = vector.multi_reduction <add>, %select_n3A_222, %reduce_sum3A_223 [1] : vector<128x128xi32> to vector<128xi32>
    %broadcast_in_dim3A_225 = vector.shape_cast %reduce_sum3A_224 : vector<128xi32> to vector<128x1xi32>
    %eq3A_226 = vector.broadcast %broadcast_in_dim3A_225 : vector<128x1xi32> to vector<128x128xi32>
    %eq3A_227 = vector.broadcast %get3A_217 : vector<1x128xi32> to vector<128x128xi32>
    %eq3A_228 = arith.cmpi eq, %eq3A_226, %eq3A_227 : vector<128x128xi32>
    %gt3A_229 = arith.cmpi sgt, %iota3A_27, %iota3A_28 : vector<128x128xi32>
    %and3A_230 = arith.andi %eq3A_228, %gt3A_229 : vector<128x128xi1>
    %jit3A_231 = arith.constant 1 : i32
    %jit3A_232 = arith.constant 0 : i32
    %broadcast_in_dim3A_233 = vector.broadcast %jit3A_231 : i32 to vector<128x128xi32>
    %broadcast_in_dim3A_234 = vector.broadcast %jit3A_232 : i32 to vector<128x128xi32>
    %select_n3A_235 = arith.select %and3A_230, %broadcast_in_dim3A_233, %broadcast_in_dim3A_234 : vector<128x128xi1>, vector<128x128xi32>
    %reduce_max3A_236 = arith.constant dense<-2147483648> : vector<128xi32>
    %reduce_max3A_237 = vector.multi_reduction <maxsi>, %select_n3A_235, %reduce_max3A_236 [0] : vector<128x128xi32> to vector<128xi32>
    %broadcast_in_dim3A_238 = vector.shape_cast %reduce_max3A_237 : vector<128xi32> to vector<1x128xi32>
    %eq3A_239 = arith.constant 0 : i32
    %eq3A_240 = vector.broadcast %eq3A_239 : i32 to vector<1x128xi32>
    %eq3A_241 = arith.cmpi eq, %broadcast_in_dim3A_238, %eq3A_240 : vector<1x128xi32>
    %convert_element_type3A_242 = arith.extui %eq3A_241 : vector<1x128xi1> to vector<1x128xi32>
    %convert_element_type3A_243 = arith.sitofp %convert_element_type3A_242 : vector<1x128xi32> to vector<1x128xf32>
    %squeeze3A_244 = vector.shape_cast %convert_element_type3A_243 : vector<1x128xf32> to vector<128xf32>
    %swap3A_245 = arith.constant 3 : index
    %swap3A_246 = arith.constant 0 : index
    %swap3A_247 = vector.load %arg5[%swap3A_245, %swap3A_246] : memref<8x128xf32, #tpu.memory_space<vmem>>, vector<1x128xf32>
    %swap3A_248 = vector.shape_cast %swap3A_247 : vector<1x128xf32> to vector<128xf32>
    %swap3A_249 = vector.shape_cast %squeeze3A_244 : vector<128xf32> to vector<1x128xf32>
    tpu.vector_store %arg5[%swap3A_245, %swap3A_246], %swap3A_249 {strides = array<i32>} : memref<8x128xf32, #tpu.memory_space<vmem>>, vector<1x128xf32>,
    %get3A_250 = arith.constant 0 : index
    %get3A_251 = arith.constant 384 : index
    %get3A_252 = vector.load %arg2[%get3A_250, %get3A_251] : memref<1x1024xi32, #tpu.memory_space<vmem>>, vector<1x128xi32>
    %eq3A_253 = vector.broadcast %get3A_252 : vector<1x128xi32> to vector<128x128xi32>
    %eq3A_254 = arith.cmpi eq, %eq3A_253, %iota3A_27 : vector<128x128xi32>
    %get3A_255 = arith.constant 0 : index
    %get3A_256 = arith.constant 384 : index
    %get3A_257 = vector.load %arg3[%get3A_255, %get3A_256] : memref<1x1024xi32, #tpu.memory_space<vmem>>, vector<1x128xi32>
    %jit3A_258 = arith.constant 0 : i32
    %broadcast_in_dim3A_259 = vector.shape_cast %get3A_257 : vector<1x128xi32> to vector<1x128xi32>
    %broadcast_in_dim3A_260 = vector.broadcast %broadcast_in_dim3A_259 : vector<1x128xi32> to vector<128x128xi32>
    %broadcast_in_dim3A_261 = vector.broadcast %jit3A_258 : i32 to vector<128x128xi32>
    %select_n3A_262 = arith.select %eq3A, %broadcast_in_dim3A_260, %broadcast_in_dim3A_261 : vector<128x128xi1>, vector<128x128xi32>
    %reduce_sum3A_263 = arith.constant dense<0> : vector<128xi32>
    %reduce_sum3A_264 = vector.multi_reduction <add>, %select_n3A_262, %reduce_sum3A_263 [1] : vector<128x128xi32> to vector<128xi32>
    %broadcast_in_dim3A_265 = vector.shape_cast %reduce_sum3A_264 : vector<128xi32> to vector<128x1xi32>
    %convert_element_type3A_266 = arith.sitofp %broadcast_in_dim3A_265 : vector<128x1xi32> to vector<128x1xf32>
    %jit3A_267 = arith.constant 0.000000e+00 : f32
    %broadcast_in_dim3A_268 = vector.shape_cast %convert_element_type3A_266 : vector<128x1xf32> to vector<128x1xf32>
    %broadcast_in_dim3A_269 = vector.broadcast %broadcast_in_dim3A_268 : vector<128x1xf32> to vector<128x128xf32>
    %broadcast_in_dim3A_270 = vector.broadcast %jit3A_267 : f32 to vector<128x128xf32>
    %select_n3A_271 = arith.select %eq3A_254, %broadcast_in_dim3A_269, %broadcast_in_dim3A_270 : vector<128x128xi1>, vector<128x128xf32>
    %reduce_sum3A_272 = arith.constant dense<0.000000e+00> : vector<128xf32>
    %reduce_sum3A_273 = vector.multi_reduction <add>, %select_n3A_271, %reduce_sum3A_272 [0] : vector<128x128xf32> to vector<128xf32>
    %swap3A_274 = arith.constant 3 : index
    %swap3A_275 = arith.constant 0 : index
    %swap3A_276 = vector.load %arg6[%swap3A_274, %swap3A_275] : memref<8x128xf32, #tpu.memory_space<vmem>>, vector<1x128xf32>
    %swap3A_277 = vector.shape_cast %swap3A_276 : vector<1x128xf32> to vector<128xf32>
    %swap3A_278 = vector.shape_cast %reduce_sum3A_273 : vector<128xf32> to vector<1x128xf32>
    tpu.vector_store %arg6[%swap3A_274, %swap3A_275], %swap3A_278 {strides = array<i32>} : memref<8x128xf32, #tpu.memory_space<vmem>>, vector<1x128xf32>,
    %get3A_279 = arith.constant 0 : index
    %get3A_280 = arith.constant 512 : index
    %get3A_281 = vector.load %arg1[%get3A_279, %get3A_280] : memref<1x1024xi32, #tpu.memory_space<vmem>>, vector<1x128xi32>
    %jit3A_282 = arith.constant 0 : i32
    %broadcast_in_dim3A_283 = vector.shape_cast %get3A_281 : vector<1x128xi32> to vector<1x128xi32>
    %broadcast_in_dim3A_284 = vector.broadcast %broadcast_in_dim3A_283 : vector<1x128xi32> to vector<128x128xi32>
    %broadcast_in_dim3A_285 = vector.broadcast %jit3A_282 : i32 to vector<128x128xi32>
    %select_n3A_286 = arith.select %eq3A, %broadcast_in_dim3A_284, %broadcast_in_dim3A_285 : vector<128x128xi1>, vector<128x128xi32>
    %reduce_sum3A_287 = arith.constant dense<0> : vector<128xi32>
    %reduce_sum3A_288 = vector.multi_reduction <add>, %select_n3A_286, %reduce_sum3A_287 [1] : vector<128x128xi32> to vector<128xi32>
    %broadcast_in_dim3A_289 = vector.shape_cast %reduce_sum3A_288 : vector<128xi32> to vector<128x1xi32>
    %eq3A_290 = vector.broadcast %broadcast_in_dim3A_289 : vector<128x1xi32> to vector<128x128xi32>
    %eq3A_291 = vector.broadcast %get3A_281 : vector<1x128xi32> to vector<128x128xi32>
    %eq3A_292 = arith.cmpi eq, %eq3A_290, %eq3A_291 : vector<128x128xi32>
    %gt3A_293 = arith.cmpi sgt, %iota3A_27, %iota3A_28 : vector<128x128xi32>
    %and3A_294 = arith.andi %eq3A_292, %gt3A_293 : vector<128x128xi1>
    %jit3A_295 = arith.constant 1 : i32
    %jit3A_296 = arith.constant 0 : i32
    %broadcast_in_dim3A_297 = vector.broadcast %jit3A_295 : i32 to vector<128x128xi32>
    %broadcast_in_dim3A_298 = vector.broadcast %jit3A_296 : i32 to vector<128x128xi32>
    %select_n3A_299 = arith.select %and3A_294, %broadcast_in_dim3A_297, %broadcast_in_dim3A_298 : vector<128x128xi1>, vector<128x128xi32>
    %reduce_max3A_300 = arith.constant dense<-2147483648> : vector<128xi32>
    %reduce_max3A_301 = vector.multi_reduction <maxsi>, %select_n3A_299, %reduce_max3A_300 [0] : vector<128x128xi32> to vector<128xi32>
    %broadcast_in_dim3A_302 = vector.shape_cast %reduce_max3A_301 : vector<128xi32> to vector<1x128xi32>
    %eq3A_303 = arith.constant 0 : i32
    %eq3A_304 = vector.broadcast %eq3A_303 : i32 to vector<1x128xi32>
    %eq3A_305 = arith.cmpi eq, %broadcast_in_dim3A_302, %eq3A_304 : vector<1x128xi32>
    %convert_element_type3A_306 = arith.extui %eq3A_305 : vector<1x128xi1> to vector<1x128xi32>
    %convert_element_type3A_307 = arith.sitofp %convert_element_type3A_306 : vector<1x128xi32> to vector<1x128xf32>
    %squeeze3A_308 = vector.shape_cast %convert_element_type3A_307 : vector<1x128xf32> to vector<128xf32>
    %swap3A_309 = arith.constant 4 : index
    %swap3A_310 = arith.constant 0 : index
    %swap3A_311 = vector.load %arg5[%swap3A_309, %swap3A_310] : memref<8x128xf32, #tpu.memory_space<vmem>>, vector<1x128xf32>
    %swap3A_312 = vector.shape_cast %swap3A_311 : vector<1x128xf32> to vector<128xf32>
    %swap3A_313 = vector.shape_cast %squeeze3A_308 : vector<128xf32> to vector<1x128xf32>
    tpu.vector_store %arg5[%swap3A_309, %swap3A_310], %swap3A_313 {strides = array<i32>} : memref<8x128xf32, #tpu.memory_space<vmem>>, vector<1x128xf32>,
    %get3A_314 = arith.constant 0 : index
    %get3A_315 = arith.constant 512 : index
    %get3A_316 = vector.load %arg2[%get3A_314, %get3A_315] : memref<1x1024xi32, #tpu.memory_space<vmem>>, vector<1x128xi32>
    %eq3A_317 = vector.broadcast %get3A_316 : vector<1x128xi32> to vector<128x128xi32>
    %eq3A_318 = arith.cmpi eq, %eq3A_317, %iota3A_27 : vector<128x128xi32>
    %get3A_319 = arith.constant 0 : index
    %get3A_320 = arith.constant 512 : index
    %get3A_321 = vector.load %arg3[%get3A_319, %get3A_320] : memref<1x1024xi32, #tpu.memory_space<vmem>>, vector<1x128xi32>
    %jit3A_322 = arith.constant 0 : i32
    %broadcast_in_dim3A_323 = vector.shape_cast %get3A_321 : vector<1x128xi32> to vector<1x128xi32>
    %broadcast_in_dim3A_324 = vector.broadcast %broadcast_in_dim3A_323 : vector<1x128xi32> to vector<128x128xi32>
    %broadcast_in_dim3A_325 = vector.broadcast %jit3A_322 : i32 to vector<128x128xi32>
    %select_n3A_326 = arith.select %eq3A, %broadcast_in_dim3A_324, %broadcast_in_dim3A_325 : vector<128x128xi1>, vector<128x128xi32>
    %reduce_sum3A_327 = arith.constant dense<0> : vector<128xi32>
    %reduce_sum3A_328 = vector.multi_reduction <add>, %select_n3A_326, %reduce_sum3A_327 [1] : vector<128x128xi32> to vector<128xi32>
    %broadcast_in_dim3A_329 = vector.shape_cast %reduce_sum3A_328 : vector<128xi32> to vector<128x1xi32>
    %convert_element_type3A_330 = arith.sitofp %broadcast_in_dim3A_329 : vector<128x1xi32> to vector<128x1xf32>
    %jit3A_331 = arith.constant 0.000000e+00 : f32
    %broadcast_in_dim3A_332 = vector.shape_cast %convert_element_type3A_330 : vector<128x1xf32> to vector<128x1xf32>
    %broadcast_in_dim3A_333 = vector.broadcast %broadcast_in_dim3A_332 : vector<128x1xf32> to vector<128x128xf32>
    %broadcast_in_dim3A_334 = vector.broadcast %jit3A_331 : f32 to vector<128x128xf32>
    %select_n3A_335 = arith.select %eq3A_318, %broadcast_in_dim3A_333, %broadcast_in_dim3A_334 : vector<128x128xi1>, vector<128x128xf32>
    %reduce_sum3A_336 = arith.constant dense<0.000000e+00> : vector<128xf32>
    %reduce_sum3A_337 = vector.multi_reduction <add>, %select_n3A_335, %reduce_sum3A_336 [0] : vector<128x128xf32> to vector<128xf32>
    %swap3A_338 = arith.constant 4 : index
    %swap3A_339 = arith.constant 0 : index
    %swap3A_340 = vector.load %arg6[%swap3A_338, %swap3A_339] : memref<8x128xf32, #tpu.memory_space<vmem>>, vector<1x128xf32>
    %swap3A_341 = vector.shape_cast %swap3A_340 : vector<1x128xf32> to vector<128xf32>
    %swap3A_342 = vector.shape_cast %reduce_sum3A_337 : vector<128xf32> to vector<1x128xf32>
    tpu.vector_store %arg6[%swap3A_338, %swap3A_339], %swap3A_342 {strides = array<i32>} : memref<8x128xf32, #tpu.memory_space<vmem>>, vector<1x128xf32>,
    %get3A_343 = arith.constant 0 : index
    %get3A_344 = arith.constant 640 : index
    %get3A_345 = vector.load %arg1[%get3A_343, %get3A_344] : memref<1x1024xi32, #tpu.memory_space<vmem>>, vector<1x128xi32>
    %jit3A_346 = arith.constant 0 : i32
    %broadcast_in_dim3A_347 = vector.shape_cast %get3A_345 : vector<1x128xi32> to vector<1x128xi32>
    %broadcast_in_dim3A_348 = vector.broadcast %broadcast_in_dim3A_347 : vector<1x128xi32> to vector<128x128xi32>
    %broadcast_in_dim3A_349 = vector.broadcast %jit3A_346 : i32 to vector<128x128xi32>
    %select_n3A_350 = arith.select %eq3A, %broadcast_in_dim3A_348, %broadcast_in_dim3A_349 : vector<128x128xi1>, vector<128x128xi32>
    %reduce_sum3A_351 = arith.constant dense<0> : vector<128xi32>
    %reduce_sum3A_352 = vector.multi_reduction <add>, %select_n3A_350, %reduce_sum3A_351 [1] : vector<128x128xi32> to vector<128xi32>
    %broadcast_in_dim3A_353 = vector.shape_cast %reduce_sum3A_352 : vector<128xi32> to vector<128x1xi32>
    %eq3A_354 = vector.broadcast %broadcast_in_dim3A_353 : vector<128x1xi32> to vector<128x128xi32>
    %eq3A_355 = vector.broadcast %get3A_345 : vector<1x128xi32> to vector<128x128xi32>
    %eq3A_356 = arith.cmpi eq, %eq3A_354, %eq3A_355 : vector<128x128xi32>
    %gt3A_357 = arith.cmpi sgt, %iota3A_27, %iota3A_28 : vector<128x128xi32>
    %and3A_358 = arith.andi %eq3A_356, %gt3A_357 : vector<128x128xi1>
    %jit3A_359 = arith.constant 1 : i32
    %jit3A_360 = arith.constant 0 : i32
    %broadcast_in_dim3A_361 = vector.broadcast %jit3A_359 : i32 to vector<128x128xi32>
    %broadcast_in_dim3A_362 = vector.broadcast %jit3A_360 : i32 to vector<128x128xi32>
    %select_n3A_363 = arith.select %and3A_358, %broadcast_in_dim3A_361, %broadcast_in_dim3A_362 : vector<128x128xi1>, vector<128x128xi32>
    %reduce_max3A_364 = arith.constant dense<-2147483648> : vector<128xi32>
    %reduce_max3A_365 = vector.multi_reduction <maxsi>, %select_n3A_363, %reduce_max3A_364 [0] : vector<128x128xi32> to vector<128xi32>
    %broadcast_in_dim3A_366 = vector.shape_cast %reduce_max3A_365 : vector<128xi32> to vector<1x128xi32>
    %eq3A_367 = arith.constant 0 : i32
    %eq3A_368 = vector.broadcast %eq3A_367 : i32 to vector<1x128xi32>
    %eq3A_369 = arith.cmpi eq, %broadcast_in_dim3A_366, %eq3A_368 : vector<1x128xi32>
    %convert_element_type3A_370 = arith.extui %eq3A_369 : vector<1x128xi1> to vector<1x128xi32>
    %convert_element_type3A_371 = arith.sitofp %convert_element_type3A_370 : vector<1x128xi32> to vector<1x128xf32>
    %squeeze3A_372 = vector.shape_cast %convert_element_type3A_371 : vector<1x128xf32> to vector<128xf32>
    %swap3A_373 = arith.constant 5 : index
    %swap3A_374 = arith.constant 0 : index
    %swap3A_375 = vector.load %arg5[%swap3A_373, %swap3A_374] : memref<8x128xf32, #tpu.memory_space<vmem>>, vector<1x128xf32>
    %swap3A_376 = vector.shape_cast %swap3A_375 : vector<1x128xf32> to vector<128xf32>
    %swap3A_377 = vector.shape_cast %squeeze3A_372 : vector<128xf32> to vector<1x128xf32>
    tpu.vector_store %arg5[%swap3A_373, %swap3A_374], %swap3A_377 {strides = array<i32>} : memref<8x128xf32, #tpu.memory_space<vmem>>, vector<1x128xf32>,
    %get3A_378 = arith.constant 0 : index
    %get3A_379 = arith.constant 640 : index
    %get3A_380 = vector.load %arg2[%get3A_378, %get3A_379] : memref<1x1024xi32, #tpu.memory_space<vmem>>, vector<1x128xi32>
    %eq3A_381 = vector.broadcast %get3A_380 : vector<1x128xi32> to vector<128x128xi32>
    %eq3A_382 = arith.cmpi eq, %eq3A_381, %iota3A_27 : vector<128x128xi32>
    %get3A_383 = arith.constant 0 : index
    %get3A_384 = arith.constant 640 : index
    %get3A_385 = vector.load %arg3[%get3A_383, %get3A_384] : memref<1x1024xi32, #tpu.memory_space<vmem>>, vector<1x128xi32>
    %jit3A_386 = arith.constant 0 : i32
    %broadcast_in_dim3A_387 = vector.shape_cast %get3A_385 : vector<1x128xi32> to vector<1x128xi32>
    %broadcast_in_dim3A_388 = vector.broadcast %broadcast_in_dim3A_387 : vector<1x128xi32> to vector<128x128xi32>
    %broadcast_in_dim3A_389 = vector.broadcast %jit3A_386 : i32 to vector<128x128xi32>
    %select_n3A_390 = arith.select %eq3A, %broadcast_in_dim3A_388, %broadcast_in_dim3A_389 : vector<128x128xi1>, vector<128x128xi32>
    %reduce_sum3A_391 = arith.constant dense<0> : vector<128xi32>
    %reduce_sum3A_392 = vector.multi_reduction <add>, %select_n3A_390, %reduce_sum3A_391 [1] : vector<128x128xi32> to vector<128xi32>
    %broadcast_in_dim3A_393 = vector.shape_cast %reduce_sum3A_392 : vector<128xi32> to vector<128x1xi32>
    %convert_element_type3A_394 = arith.sitofp %broadcast_in_dim3A_393 : vector<128x1xi32> to vector<128x1xf32>
    %jit3A_395 = arith.constant 0.000000e+00 : f32
    %broadcast_in_dim3A_396 = vector.shape_cast %convert_element_type3A_394 : vector<128x1xf32> to vector<128x1xf32>
    %broadcast_in_dim3A_397 = vector.broadcast %broadcast_in_dim3A_396 : vector<128x1xf32> to vector<128x128xf32>
    %broadcast_in_dim3A_398 = vector.broadcast %jit3A_395 : f32 to vector<128x128xf32>
    %select_n3A_399 = arith.select %eq3A_382, %broadcast_in_dim3A_397, %broadcast_in_dim3A_398 : vector<128x128xi1>, vector<128x128xf32>
    %reduce_sum3A_400 = arith.constant dense<0.000000e+00> : vector<128xf32>
    %reduce_sum3A_401 = vector.multi_reduction <add>, %select_n3A_399, %reduce_sum3A_400 [0] : vector<128x128xf32> to vector<128xf32>
    %swap3A_402 = arith.constant 5 : index
    %swap3A_403 = arith.constant 0 : index
    %swap3A_404 = vector.load %arg6[%swap3A_402, %swap3A_403] : memref<8x128xf32, #tpu.memory_space<vmem>>, vector<1x128xf32>
    %swap3A_405 = vector.shape_cast %swap3A_404 : vector<1x128xf32> to vector<128xf32>
    %swap3A_406 = vector.shape_cast %reduce_sum3A_401 : vector<128xf32> to vector<1x128xf32>
    tpu.vector_store %arg6[%swap3A_402, %swap3A_403], %swap3A_406 {strides = array<i32>} : memref<8x128xf32, #tpu.memory_space<vmem>>, vector<1x128xf32>,
    %get3A_407 = arith.constant 0 : index
    %get3A_408 = arith.constant 768 : index
    %get3A_409 = vector.load %arg1[%get3A_407, %get3A_408] : memref<1x1024xi32, #tpu.memory_space<vmem>>, vector<1x128xi32>
    %jit3A_410 = arith.constant 0 : i32
    %broadcast_in_dim3A_411 = vector.shape_cast %get3A_409 : vector<1x128xi32> to vector<1x128xi32>
    %broadcast_in_dim3A_412 = vector.broadcast %broadcast_in_dim3A_411 : vector<1x128xi32> to vector<128x128xi32>
    %broadcast_in_dim3A_413 = vector.broadcast %jit3A_410 : i32 to vector<128x128xi32>
    %select_n3A_414 = arith.select %eq3A, %broadcast_in_dim3A_412, %broadcast_in_dim3A_413 : vector<128x128xi1>, vector<128x128xi32>
    %reduce_sum3A_415 = arith.constant dense<0> : vector<128xi32>
    %reduce_sum3A_416 = vector.multi_reduction <add>, %select_n3A_414, %reduce_sum3A_415 [1] : vector<128x128xi32> to vector<128xi32>
    %broadcast_in_dim3A_417 = vector.shape_cast %reduce_sum3A_416 : vector<128xi32> to vector<128x1xi32>
    %eq3A_418 = vector.broadcast %broadcast_in_dim3A_417 : vector<128x1xi32> to vector<128x128xi32>
    %eq3A_419 = vector.broadcast %get3A_409 : vector<1x128xi32> to vector<128x128xi32>
    %eq3A_420 = arith.cmpi eq, %eq3A_418, %eq3A_419 : vector<128x128xi32>
    %gt3A_421 = arith.cmpi sgt, %iota3A_27, %iota3A_28 : vector<128x128xi32>
    %and3A_422 = arith.andi %eq3A_420, %gt3A_421 : vector<128x128xi1>
    %jit3A_423 = arith.constant 1 : i32
    %jit3A_424 = arith.constant 0 : i32
    %broadcast_in_dim3A_425 = vector.broadcast %jit3A_423 : i32 to vector<128x128xi32>
    %broadcast_in_dim3A_426 = vector.broadcast %jit3A_424 : i32 to vector<128x128xi32>
    %select_n3A_427 = arith.select %and3A_422, %broadcast_in_dim3A_425, %broadcast_in_dim3A_426 : vector<128x128xi1>, vector<128x128xi32>
    %reduce_max3A_428 = arith.constant dense<-2147483648> : vector<128xi32>
    %reduce_max3A_429 = vector.multi_reduction <maxsi>, %select_n3A_427, %reduce_max3A_428 [0] : vector<128x128xi32> to vector<128xi32>
    %broadcast_in_dim3A_430 = vector.shape_cast %reduce_max3A_429 : vector<128xi32> to vector<1x128xi32>
    %eq3A_431 = arith.constant 0 : i32
    %eq3A_432 = vector.broadcast %eq3A_431 : i32 to vector<1x128xi32>
    %eq3A_433 = arith.cmpi eq, %broadcast_in_dim3A_430, %eq3A_432 : vector<1x128xi32>
    %convert_element_type3A_434 = arith.extui %eq3A_433 : vector<1x128xi1> to vector<1x128xi32>
    %convert_element_type3A_435 = arith.sitofp %convert_element_type3A_434 : vector<1x128xi32> to vector<1x128xf32>
    %squeeze3A_436 = vector.shape_cast %convert_element_type3A_435 : vector<1x128xf32> to vector<128xf32>
    %swap3A_437 = arith.constant 6 : index
    %swap3A_438 = arith.constant 0 : index
    %swap3A_439 = vector.load %arg5[%swap3A_437, %swap3A_438] : memref<8x128xf32, #tpu.memory_space<vmem>>, vector<1x128xf32>
    %swap3A_440 = vector.shape_cast %swap3A_439 : vector<1x128xf32> to vector<128xf32>
    %swap3A_441 = vector.shape_cast %squeeze3A_436 : vector<128xf32> to vector<1x128xf32>
    tpu.vector_store %arg5[%swap3A_437, %swap3A_438], %swap3A_441 {strides = array<i32>} : memref<8x128xf32, #tpu.memory_space<vmem>>, vector<1x128xf32>,
    %get3A_442 = arith.constant 0 : index
    %get3A_443 = arith.constant 768 : index
    %get3A_444 = vector.load %arg2[%get3A_442, %get3A_443] : memref<1x1024xi32, #tpu.memory_space<vmem>>, vector<1x128xi32>
    %eq3A_445 = vector.broadcast %get3A_444 : vector<1x128xi32> to vector<128x128xi32>
    %eq3A_446 = arith.cmpi eq, %eq3A_445, %iota3A_27 : vector<128x128xi32>
    %get3A_447 = arith.constant 0 : index
    %get3A_448 = arith.constant 768 : index
    %get3A_449 = vector.load %arg3[%get3A_447, %get3A_448] : memref<1x1024xi32, #tpu.memory_space<vmem>>, vector<1x128xi32>
    %jit3A_450 = arith.constant 0 : i32
    %broadcast_in_dim3A_451 = vector.shape_cast %get3A_449 : vector<1x128xi32> to vector<1x128xi32>
    %broadcast_in_dim3A_452 = vector.broadcast %broadcast_in_dim3A_451 : vector<1x128xi32> to vector<128x128xi32>
    %broadcast_in_dim3A_453 = vector.broadcast %jit3A_450 : i32 to vector<128x128xi32>
    %select_n3A_454 = arith.select %eq3A, %broadcast_in_dim3A_452, %broadcast_in_dim3A_453 : vector<128x128xi1>, vector<128x128xi32>
    %reduce_sum3A_455 = arith.constant dense<0> : vector<128xi32>
    %reduce_sum3A_456 = vector.multi_reduction <add>, %select_n3A_454, %reduce_sum3A_455 [1] : vector<128x128xi32> to vector<128xi32>
    %broadcast_in_dim3A_457 = vector.shape_cast %reduce_sum3A_456 : vector<128xi32> to vector<128x1xi32>
    %convert_element_type3A_458 = arith.sitofp %broadcast_in_dim3A_457 : vector<128x1xi32> to vector<128x1xf32>
    %jit3A_459 = arith.constant 0.000000e+00 : f32
    %broadcast_in_dim3A_460 = vector.shape_cast %convert_element_type3A_458 : vector<128x1xf32> to vector<128x1xf32>
    %broadcast_in_dim3A_461 = vector.broadcast %broadcast_in_dim3A_460 : vector<128x1xf32> to vector<128x128xf32>
    %broadcast_in_dim3A_462 = vector.broadcast %jit3A_459 : f32 to vector<128x128xf32>
    %select_n3A_463 = arith.select %eq3A_446, %broadcast_in_dim3A_461, %broadcast_in_dim3A_462 : vector<128x128xi1>, vector<128x128xf32>
    %reduce_sum3A_464 = arith.constant dense<0.000000e+00> : vector<128xf32>
    %reduce_sum3A_465 = vector.multi_reduction <add>, %select_n3A_463, %reduce_sum3A_464 [0] : vector<128x128xf32> to vector<128xf32>
    %swap3A_466 = arith.constant 6 : index
    %swap3A_467 = arith.constant 0 : index
    %swap3A_468 = vector.load %arg6[%swap3A_466, %swap3A_467] : memref<8x128xf32, #tpu.memory_space<vmem>>, vector<1x128xf32>
    %swap3A_469 = vector.shape_cast %swap3A_468 : vector<1x128xf32> to vector<128xf32>
    %swap3A_470 = vector.shape_cast %reduce_sum3A_465 : vector<128xf32> to vector<1x128xf32>
    tpu.vector_store %arg6[%swap3A_466, %swap3A_467], %swap3A_470 {strides = array<i32>} : memref<8x128xf32, #tpu.memory_space<vmem>>, vector<1x128xf32>,
    %get3A_471 = arith.constant 0 : index
    %get3A_472 = arith.constant 896 : index
    %get3A_473 = vector.load %arg1[%get3A_471, %get3A_472] : memref<1x1024xi32, #tpu.memory_space<vmem>>, vector<1x128xi32>
    %jit3A_474 = arith.constant 0 : i32
    %broadcast_in_dim3A_475 = vector.shape_cast %get3A_473 : vector<1x128xi32> to vector<1x128xi32>
    %broadcast_in_dim3A_476 = vector.broadcast %broadcast_in_dim3A_475 : vector<1x128xi32> to vector<128x128xi32>
    %broadcast_in_dim3A_477 = vector.broadcast %jit3A_474 : i32 to vector<128x128xi32>
    %select_n3A_478 = arith.select %eq3A, %broadcast_in_dim3A_476, %broadcast_in_dim3A_477 : vector<128x128xi1>, vector<128x128xi32>
    %reduce_sum3A_479 = arith.constant dense<0> : vector<128xi32>
    %reduce_sum3A_480 = vector.multi_reduction <add>, %select_n3A_478, %reduce_sum3A_479 [1] : vector<128x128xi32> to vector<128xi32>
    %broadcast_in_dim3A_481 = vector.shape_cast %reduce_sum3A_480 : vector<128xi32> to vector<128x1xi32>
    %eq3A_482 = vector.broadcast %broadcast_in_dim3A_481 : vector<128x1xi32> to vector<128x128xi32>
    %eq3A_483 = vector.broadcast %get3A_473 : vector<1x128xi32> to vector<128x128xi32>
    %eq3A_484 = arith.cmpi eq, %eq3A_482, %eq3A_483 : vector<128x128xi32>
    %gt3A_485 = arith.cmpi sgt, %iota3A_27, %iota3A_28 : vector<128x128xi32>
    %and3A_486 = arith.andi %eq3A_484, %gt3A_485 : vector<128x128xi1>
    %jit3A_487 = arith.constant 1 : i32
    %jit3A_488 = arith.constant 0 : i32
    %broadcast_in_dim3A_489 = vector.broadcast %jit3A_487 : i32 to vector<128x128xi32>
    %broadcast_in_dim3A_490 = vector.broadcast %jit3A_488 : i32 to vector<128x128xi32>
    %select_n3A_491 = arith.select %and3A_486, %broadcast_in_dim3A_489, %broadcast_in_dim3A_490 : vector<128x128xi1>, vector<128x128xi32>
    %reduce_max3A_492 = arith.constant dense<-2147483648> : vector<128xi32>
    %reduce_max3A_493 = vector.multi_reduction <maxsi>, %select_n3A_491, %reduce_max3A_492 [0] : vector<128x128xi32> to vector<128xi32>
    %broadcast_in_dim3A_494 = vector.shape_cast %reduce_max3A_493 : vector<128xi32> to vector<1x128xi32>
    %eq3A_495 = arith.constant 0 : i32
    %eq3A_496 = vector.broadcast %eq3A_495 : i32 to vector<1x128xi32>
    %eq3A_497 = arith.cmpi eq, %broadcast_in_dim3A_494, %eq3A_496 : vector<1x128xi32>
    %convert_element_type3A_498 = arith.extui %eq3A_497 : vector<1x128xi1> to vector<1x128xi32>
    %convert_element_type3A_499 = arith.sitofp %convert_element_type3A_498 : vector<1x128xi32> to vector<1x128xf32>
    %squeeze3A_500 = vector.shape_cast %convert_element_type3A_499 : vector<1x128xf32> to vector<128xf32>
    %swap3A_501 = arith.constant 7 : index
    %swap3A_502 = arith.constant 0 : index
    %swap3A_503 = vector.load %arg5[%swap3A_501, %swap3A_502] : memref<8x128xf32, #tpu.memory_space<vmem>>, vector<1x128xf32>
    %swap3A_504 = vector.shape_cast %swap3A_503 : vector<1x128xf32> to vector<128xf32>
    %swap3A_505 = vector.shape_cast %squeeze3A_500 : vector<128xf32> to vector<1x128xf32>
    tpu.vector_store %arg5[%swap3A_501, %swap3A_502], %swap3A_505 {strides = array<i32>} : memref<8x128xf32, #tpu.memory_space<vmem>>, vector<1x128xf32>,
    %get3A_506 = arith.constant 0 : index
    %get3A_507 = arith.constant 896 : index
    %get3A_508 = vector.load %arg2[%get3A_506, %get3A_507] : memref<1x1024xi32, #tpu.memory_space<vmem>>, vector<1x128xi32>
    %eq3A_509 = vector.broadcast %get3A_508 : vector<1x128xi32> to vector<128x128xi32>
    %eq3A_510 = arith.cmpi eq, %eq3A_509, %iota3A_27 : vector<128x128xi32>
    %get3A_511 = arith.constant 0 : index
    %get3A_512 = arith.constant 896 : index
    %get3A_513 = vector.load %arg3[%get3A_511, %get3A_512] : memref<1x1024xi32, #tpu.memory_space<vmem>>, vector<1x128xi32>
    %jit3A_514 = arith.constant 0 : i32
    %broadcast_in_dim3A_515 = vector.shape_cast %get3A_513 : vector<1x128xi32> to vector<1x128xi32>
    %broadcast_in_dim3A_516 = vector.broadcast %broadcast_in_dim3A_515 : vector<1x128xi32> to vector<128x128xi32>
    %broadcast_in_dim3A_517 = vector.broadcast %jit3A_514 : i32 to vector<128x128xi32>
    %select_n3A_518 = arith.select %eq3A, %broadcast_in_dim3A_516, %broadcast_in_dim3A_517 : vector<128x128xi1>, vector<128x128xi32>
    %reduce_sum3A_519 = arith.constant dense<0> : vector<128xi32>
    %reduce_sum3A_520 = vector.multi_reduction <add>, %select_n3A_518, %reduce_sum3A_519 [1] : vector<128x128xi32> to vector<128xi32>
    %broadcast_in_dim3A_521 = vector.shape_cast %reduce_sum3A_520 : vector<128xi32> to vector<128x1xi32>
    %convert_element_type3A_522 = arith.sitofp %broadcast_in_dim3A_521 : vector<128x1xi32> to vector<128x1xf32>
    %jit3A_523 = arith.constant 0.000000e+00 : f32
    %broadcast_in_dim3A_524 = vector.shape_cast %convert_element_type3A_522 : vector<128x1xf32> to vector<128x1xf32>
    %broadcast_in_dim3A_525 = vector.broadcast %broadcast_in_dim3A_524 : vector<128x1xf32> to vector<128x128xf32>
    %broadcast_in_dim3A_526 = vector.broadcast %jit3A_523 : f32 to vector<128x128xf32>
    %select_n3A_527 = arith.select %eq3A_510, %broadcast_in_dim3A_525, %broadcast_in_dim3A_526 : vector<128x128xi1>, vector<128x128xf32>
    %reduce_sum3A_528 = arith.constant dense<0.000000e+00> : vector<128xf32>
    %reduce_sum3A_529 = vector.multi_reduction <add>, %select_n3A_527, %reduce_sum3A_528 [0] : vector<128x128xf32> to vector<128xf32>
    %swap3A_530 = arith.constant 7 : index
    %swap3A_531 = arith.constant 0 : index
    %swap3A_532 = vector.load %arg6[%swap3A_530, %swap3A_531] : memref<8x128xf32, #tpu.memory_space<vmem>>, vector<1x128xf32>
    %swap3A_533 = vector.shape_cast %swap3A_532 : vector<1x128xf32> to vector<128xf32>
    %swap3A_534 = vector.shape_cast %reduce_sum3A_529 : vector<128xf32> to vector<1x128xf32>
    tpu.vector_store %arg6[%swap3A_530, %swap3A_531], %swap3A_534 {strides = array<i32>} : memref<8x128xf32, #tpu.memory_space<vmem>>, vector<1x128xf32>,
    return
  }
}

module attributes {stable_mosaic.version = 14 : i64} {
  func.func @_tc_b_body(%arg0: memref<5x1024xf32, #tpu.memory_space<vmem>>, %arg1: memref<64x1024xf32, #tpu.memory_space<vmem>>, %arg2: memref<4x128xf32, #tpu.memory_space<vmem>>, %arg3: memref<4x128xf32, #tpu.memory_space<vmem>>, %arg4: memref<1x1xf32, #tpu.memory_space<vmem>>, %arg5: memref<8x128xf32, #tpu.memory_space<vmem>>, %arg6: memref<8x128xf32, #tpu.memory_space<vmem>>, %arg7: memref<1x1xf32, #tpu.memory_space<vmem>>, %arg8: memref<1x1xf32, #tpu.memory_space<vmem>>, %arg9: memref<1x1xf32, #tpu.memory_space<vmem>>) attributes {dimension_semantics = [], scalar_prefetch = 0 : i64, scratch_operands = 0 : i64, tpu.core_type = #tpu.core_type<tc>} {
    %get3A = arith.constant 0 : index
    %get3A_0 = arith.constant 0 : index
    %get3A_1 = vector.load %arg5[%get3A, %get3A_0] : memref<8x128xf32, #tpu.memory_space<vmem>>, vector<1x128xf32>
    %get3A_2 = arith.constant 0 : index
    %get3A_3 = arith.constant 0 : index
    %get3A_4 = vector.load %arg6[%get3A_2, %get3A_3] : memref<8x128xf32, #tpu.memory_space<vmem>>, vector<1x128xf32>
    %get3A_5 = arith.constant 0 : index
    %get3A_6 = arith.constant 0 : index
    %get3A_7 = vector.load %arg0[%get3A_5, %get3A_6] : memref<5x1024xf32, #tpu.memory_space<vmem>>, vector<5x128xf32>
    %reduce_max3A = arith.constant dense<0xFF800000> : vector<128xf32>
    %reduce_max3A_8 = vector.multi_reduction <maximumf>, %get3A_7, %reduce_max3A [0] : vector<5x128xf32> to vector<128xf32>
    %broadcast_in_dim3A = vector.shape_cast %reduce_max3A_8 : vector<128xf32> to vector<1x128xf32>
    %sub3A = vector.broadcast %broadcast_in_dim3A : vector<1x128xf32> to vector<5x128xf32>
    %sub3A_9 = arith.subf %get3A_7, %sub3A : vector<5x128xf32>
    %exp3A = math.exp %sub3A_9 : vector<5x128xf32>
    %reduce_sum3A = arith.constant dense<0.000000e+00> : vector<128xf32>
    %reduce_sum3A_10 = vector.multi_reduction <add>, %exp3A, %reduce_sum3A [0] : vector<5x128xf32> to vector<128xf32>
    %broadcast_in_dim3A_11 = vector.shape_cast %reduce_sum3A_10 : vector<128xf32> to vector<1x128xf32>
    %log3A = math.log %broadcast_in_dim3A_11 : vector<1x128xf32>
    %add3A = arith.addf %log3A, %broadcast_in_dim3A : vector<1x128xf32>
    %sub3A_12 = vector.broadcast %add3A : vector<1x128xf32> to vector<5x128xf32>
    %sub3A_13 = arith.subf %get3A_7, %sub3A_12 : vector<5x128xf32>
    %iota3A = tpu.iota {dimensions = array<i32: 0>} : vector<5x128xi32>
    %convert_element_type3A = arith.sitofp %iota3A : vector<5x128xi32> to vector<5x128xf32>
    %eq3A = vector.broadcast %get3A_4 : vector<1x128xf32> to vector<5x128xf32>
    %eq3A_14 = arith.cmpf oeq, %convert_element_type3A, %eq3A : vector<5x128xf32>
    %convert_element_type3A_15 = arith.extui %eq3A_14 : vector<5x128xi1> to vector<5x128xi32>
    %convert_element_type3A_16 = arith.sitofp %convert_element_type3A_15 : vector<5x128xi32> to vector<5x128xf32>
    %mul3A = arith.mulf %sub3A_13, %convert_element_type3A_16 : vector<5x128xf32>
    %reduce_sum3A_17 = arith.constant dense<0.000000e+00> : vector<128xf32>
    %reduce_sum3A_18 = vector.multi_reduction <add>, %mul3A, %reduce_sum3A_17 [0] : vector<5x128xf32> to vector<128xf32>
    %broadcast_in_dim3A_19 = vector.shape_cast %reduce_sum3A_18 : vector<128xf32> to vector<1x128xf32>
    %exp3A_20 = math.exp %broadcast_in_dim3A_19 : vector<1x128xf32>
    %eq3A_21 = arith.constant 0.000000e+00 : f32
    %eq3A_22 = vector.broadcast %eq3A_21 : f32 to vector<1x128xf32>
    %eq3A_23 = arith.cmpf oeq, %get3A_4, %eq3A_22 : vector<1x128xf32>
    %jit3A = arith.constant 2.500000e-01 : f32
    %jit3A_24 = arith.constant 7.500000e-01 : f32
    %broadcast_in_dim3A_25 = vector.broadcast %jit3A : f32 to vector<1x128xf32>
    %broadcast_in_dim3A_26 = vector.broadcast %jit3A_24 : f32 to vector<1x128xf32>
    %select_n3A = arith.select %eq3A_23, %broadcast_in_dim3A_25, %broadcast_in_dim3A_26 : vector<1x128xi1>, vector<1x128xf32>
    %neg3A = arith.constant 0.000000e+00 : f32
    %neg3A_27 = vector.broadcast %neg3A : f32 to vector<1x128xf32>
    %neg3A_28 = arith.subf %neg3A_27, %select_n3A : vector<1x128xf32>
    %sub3A_29 = arith.constant 1.000000e+00 : f32
    %sub3A_30 = vector.broadcast %sub3A_29 : f32 to vector<1x128xf32>
    %sub3A_31 = arith.subf %sub3A_30, %exp3A_20 : vector<1x128xf32>
    %mul3A_32 = arith.mulf %neg3A_28, %sub3A_31 : vector<1x128xf32>
    %sub3A_33 = arith.constant 1.000000e+00 : f32
    %sub3A_34 = vector.broadcast %sub3A_33 : f32 to vector<1x128xf32>
    %sub3A_35 = arith.subf %sub3A_34, %exp3A_20 : vector<1x128xf32>
    %mul3A_36 = arith.mulf %mul3A_32, %sub3A_35 : vector<1x128xf32>
    %mul3A_37 = arith.mulf %mul3A_36, %broadcast_in_dim3A_19 : vector<1x128xf32>
    %slice3A = vector.extract_strided_slice %sub3A_13 {offsets = [4, 0], sizes = [1, 128], strides = [1, 1]} : vector<5x128xf32> to vector<1x128xf32>
    %exp3A_38 = math.exp %slice3A : vector<1x128xf32>
    %sub3A_39 = arith.constant 1.000000e+00 : f32
    %sub3A_40 = vector.broadcast %sub3A_39 : f32 to vector<1x128xf32>
    %sub3A_41 = arith.subf %sub3A_40, %exp3A_38 : vector<1x128xf32>
    %mul3A_42 = arith.constant -7.500000e-01 : f32
    %mul3A_43 = vector.broadcast %mul3A_42 : f32 to vector<1x128xf32>
    %mul3A_44 = arith.mulf %mul3A_43, %sub3A_41 : vector<1x128xf32>
    %sub3A_45 = arith.constant 1.000000e+00 : f32
    %sub3A_46 = vector.broadcast %sub3A_45 : f32 to vector<1x128xf32>
    %sub3A_47 = arith.subf %sub3A_46, %exp3A_38 : vector<1x128xf32>
    %mul3A_48 = arith.mulf %mul3A_44, %sub3A_47 : vector<1x128xf32>
    %mul3A_49 = arith.mulf %mul3A_48, %slice3A : vector<1x128xf32>
    %sub3A_50 = arith.subf %mul3A_37, %mul3A_49 : vector<1x128xf32>
    %mul3A_51 = arith.mulf %get3A_1, %sub3A_50 : vector<1x128xf32>
    %reduce_sum3A_52 = vector.shape_cast %mul3A_51 : vector<1x128xf32> to vector<1x1x128xf32>
    %reduce_sum3A_53 = arith.constant dense<0.000000e+00> : vector<1xf32>
    %reduce_sum3A_54 = vector.multi_reduction <add>, %reduce_sum3A_52, %reduce_sum3A_53 [1, 2] : vector<1x1x128xf32> to vector<1xf32>
    %reduce_sum3A_55 = vector.shape_cast %reduce_sum3A_54 : vector<1xf32> to vector<1x1x1xf32>
    %reduce_sum3A_56 = vector.extract %reduce_sum3A_55[0, 0, 0] : f32 from vector<1x1x1xf32>
    %add3A_57 = arith.constant 0.000000e+00 : f32
    %add3A_58 = arith.addf %add3A_57, %reduce_sum3A_56 : f32
    %get3A_59 = arith.constant 1 : index
    %get3A_60 = arith.constant 0 : index
    %get3A_61 = vector.load %arg5[%get3A_59, %get3A_60] : memref<8x128xf32, #tpu.memory_space<vmem>>, vector<1x128xf32>
    %get3A_62 = arith.constant 1 : index
    %get3A_63 = arith.constant 0 : index
    %get3A_64 = vector.load %arg6[%get3A_62, %get3A_63] : memref<8x128xf32, #tpu.memory_space<vmem>>, vector<1x128xf32>
    %get3A_65 = arith.constant 0 : index
    %get3A_66 = arith.constant 128 : index
    %get3A_67 = vector.load %arg0[%get3A_65, %get3A_66] : memref<5x1024xf32, #tpu.memory_space<vmem>>, vector<5x128xf32>
    %reduce_max3A_68 = arith.constant dense<0xFF800000> : vector<128xf32>
    %reduce_max3A_69 = vector.multi_reduction <maximumf>, %get3A_67, %reduce_max3A_68 [0] : vector<5x128xf32> to vector<128xf32>
    %broadcast_in_dim3A_70 = vector.shape_cast %reduce_max3A_69 : vector<128xf32> to vector<1x128xf32>
    %sub3A_71 = vector.broadcast %broadcast_in_dim3A_70 : vector<1x128xf32> to vector<5x128xf32>
    %sub3A_72 = arith.subf %get3A_67, %sub3A_71 : vector<5x128xf32>
    %exp3A_73 = math.exp %sub3A_72 : vector<5x128xf32>
    %reduce_sum3A_74 = arith.constant dense<0.000000e+00> : vector<128xf32>
    %reduce_sum3A_75 = vector.multi_reduction <add>, %exp3A_73, %reduce_sum3A_74 [0] : vector<5x128xf32> to vector<128xf32>
    %broadcast_in_dim3A_76 = vector.shape_cast %reduce_sum3A_75 : vector<128xf32> to vector<1x128xf32>
    %log3A_77 = math.log %broadcast_in_dim3A_76 : vector<1x128xf32>
    %add3A_78 = arith.addf %log3A_77, %broadcast_in_dim3A_70 : vector<1x128xf32>
    %sub3A_79 = vector.broadcast %add3A_78 : vector<1x128xf32> to vector<5x128xf32>
    %sub3A_80 = arith.subf %get3A_67, %sub3A_79 : vector<5x128xf32>
    %iota3A_81 = tpu.iota {dimensions = array<i32: 0>} : vector<5x128xi32>
    %convert_element_type3A_82 = arith.sitofp %iota3A_81 : vector<5x128xi32> to vector<5x128xf32>
    %eq3A_83 = vector.broadcast %get3A_64 : vector<1x128xf32> to vector<5x128xf32>
    %eq3A_84 = arith.cmpf oeq, %convert_element_type3A_82, %eq3A_83 : vector<5x128xf32>
    %convert_element_type3A_85 = arith.extui %eq3A_84 : vector<5x128xi1> to vector<5x128xi32>
    %convert_element_type3A_86 = arith.sitofp %convert_element_type3A_85 : vector<5x128xi32> to vector<5x128xf32>
    %mul3A_87 = arith.mulf %sub3A_80, %convert_element_type3A_86 : vector<5x128xf32>
    %reduce_sum3A_88 = arith.constant dense<0.000000e+00> : vector<128xf32>
    %reduce_sum3A_89 = vector.multi_reduction <add>, %mul3A_87, %reduce_sum3A_88 [0] : vector<5x128xf32> to vector<128xf32>
    %broadcast_in_dim3A_90 = vector.shape_cast %reduce_sum3A_89 : vector<128xf32> to vector<1x128xf32>
    %exp3A_91 = math.exp %broadcast_in_dim3A_90 : vector<1x128xf32>
    %eq3A_92 = arith.constant 0.000000e+00 : f32
    %eq3A_93 = vector.broadcast %eq3A_92 : f32 to vector<1x128xf32>
    %eq3A_94 = arith.cmpf oeq, %get3A_64, %eq3A_93 : vector<1x128xf32>
    %jit3A_95 = arith.constant 2.500000e-01 : f32
    %jit3A_96 = arith.constant 7.500000e-01 : f32
    %broadcast_in_dim3A_97 = vector.broadcast %jit3A_95 : f32 to vector<1x128xf32>
    %broadcast_in_dim3A_98 = vector.broadcast %jit3A_96 : f32 to vector<1x128xf32>
    %select_n3A_99 = arith.select %eq3A_94, %broadcast_in_dim3A_97, %broadcast_in_dim3A_98 : vector<1x128xi1>, vector<1x128xf32>
    %neg3A_100 = arith.constant 0.000000e+00 : f32
    %neg3A_101 = vector.broadcast %neg3A_100 : f32 to vector<1x128xf32>
    %neg3A_102 = arith.subf %neg3A_101, %select_n3A_99 : vector<1x128xf32>
    %sub3A_103 = arith.constant 1.000000e+00 : f32
    %sub3A_104 = vector.broadcast %sub3A_103 : f32 to vector<1x128xf32>
    %sub3A_105 = arith.subf %sub3A_104, %exp3A_91 : vector<1x128xf32>
    %mul3A_106 = arith.mulf %neg3A_102, %sub3A_105 : vector<1x128xf32>
    %sub3A_107 = arith.constant 1.000000e+00 : f32
    %sub3A_108 = vector.broadcast %sub3A_107 : f32 to vector<1x128xf32>
    %sub3A_109 = arith.subf %sub3A_108, %exp3A_91 : vector<1x128xf32>
    %mul3A_110 = arith.mulf %mul3A_106, %sub3A_109 : vector<1x128xf32>
    %mul3A_111 = arith.mulf %mul3A_110, %broadcast_in_dim3A_90 : vector<1x128xf32>
    %slice3A_112 = vector.extract_strided_slice %sub3A_80 {offsets = [4, 0], sizes = [1, 128], strides = [1, 1]} : vector<5x128xf32> to vector<1x128xf32>
    %exp3A_113 = math.exp %slice3A_112 : vector<1x128xf32>
    %sub3A_114 = arith.constant 1.000000e+00 : f32
    %sub3A_115 = vector.broadcast %sub3A_114 : f32 to vector<1x128xf32>
    %sub3A_116 = arith.subf %sub3A_115, %exp3A_113 : vector<1x128xf32>
    %mul3A_117 = arith.constant -7.500000e-01 : f32
    %mul3A_118 = vector.broadcast %mul3A_117 : f32 to vector<1x128xf32>
    %mul3A_119 = arith.mulf %mul3A_118, %sub3A_116 : vector<1x128xf32>
    %sub3A_120 = arith.constant 1.000000e+00 : f32
    %sub3A_121 = vector.broadcast %sub3A_120 : f32 to vector<1x128xf32>
    %sub3A_122 = arith.subf %sub3A_121, %exp3A_113 : vector<1x128xf32>
    %mul3A_123 = arith.mulf %mul3A_119, %sub3A_122 : vector<1x128xf32>
    %mul3A_124 = arith.mulf %mul3A_123, %slice3A_112 : vector<1x128xf32>
    %sub3A_125 = arith.subf %mul3A_111, %mul3A_124 : vector<1x128xf32>
    %mul3A_126 = arith.mulf %get3A_61, %sub3A_125 : vector<1x128xf32>
    %reduce_sum3A_127 = vector.shape_cast %mul3A_126 : vector<1x128xf32> to vector<1x1x128xf32>
    %reduce_sum3A_128 = arith.constant dense<0.000000e+00> : vector<1xf32>
    %reduce_sum3A_129 = vector.multi_reduction <add>, %reduce_sum3A_127, %reduce_sum3A_128 [1, 2] : vector<1x1x128xf32> to vector<1xf32>
    %reduce_sum3A_130 = vector.shape_cast %reduce_sum3A_129 : vector<1xf32> to vector<1x1x1xf32>
    %reduce_sum3A_131 = vector.extract %reduce_sum3A_130[0, 0, 0] : f32 from vector<1x1x1xf32>
    %add3A_132 = arith.addf %add3A_58, %reduce_sum3A_131 : f32
    %get3A_133 = arith.constant 2 : index
    %get3A_134 = arith.constant 0 : index
    %get3A_135 = vector.load %arg5[%get3A_133, %get3A_134] : memref<8x128xf32, #tpu.memory_space<vmem>>, vector<1x128xf32>
    %get3A_136 = arith.constant 2 : index
    %get3A_137 = arith.constant 0 : index
    %get3A_138 = vector.load %arg6[%get3A_136, %get3A_137] : memref<8x128xf32, #tpu.memory_space<vmem>>, vector<1x128xf32>
    %get3A_139 = arith.constant 0 : index
    %get3A_140 = arith.constant 256 : index
    %get3A_141 = vector.load %arg0[%get3A_139, %get3A_140] : memref<5x1024xf32, #tpu.memory_space<vmem>>, vector<5x128xf32>
    %reduce_max3A_142 = arith.constant dense<0xFF800000> : vector<128xf32>
    %reduce_max3A_143 = vector.multi_reduction <maximumf>, %get3A_141, %reduce_max3A_142 [0] : vector<5x128xf32> to vector<128xf32>
    %broadcast_in_dim3A_144 = vector.shape_cast %reduce_max3A_143 : vector<128xf32> to vector<1x128xf32>
    %sub3A_145 = vector.broadcast %broadcast_in_dim3A_144 : vector<1x128xf32> to vector<5x128xf32>
    %sub3A_146 = arith.subf %get3A_141, %sub3A_145 : vector<5x128xf32>
    %exp3A_147 = math.exp %sub3A_146 : vector<5x128xf32>
    %reduce_sum3A_148 = arith.constant dense<0.000000e+00> : vector<128xf32>
    %reduce_sum3A_149 = vector.multi_reduction <add>, %exp3A_147, %reduce_sum3A_148 [0] : vector<5x128xf32> to vector<128xf32>
    %broadcast_in_dim3A_150 = vector.shape_cast %reduce_sum3A_149 : vector<128xf32> to vector<1x128xf32>
    %log3A_151 = math.log %broadcast_in_dim3A_150 : vector<1x128xf32>
    %add3A_152 = arith.addf %log3A_151, %broadcast_in_dim3A_144 : vector<1x128xf32>
    %sub3A_153 = vector.broadcast %add3A_152 : vector<1x128xf32> to vector<5x128xf32>
    %sub3A_154 = arith.subf %get3A_141, %sub3A_153 : vector<5x128xf32>
    %iota3A_155 = tpu.iota {dimensions = array<i32: 0>} : vector<5x128xi32>
    %convert_element_type3A_156 = arith.sitofp %iota3A_155 : vector<5x128xi32> to vector<5x128xf32>
    %eq3A_157 = vector.broadcast %get3A_138 : vector<1x128xf32> to vector<5x128xf32>
    %eq3A_158 = arith.cmpf oeq, %convert_element_type3A_156, %eq3A_157 : vector<5x128xf32>
    %convert_element_type3A_159 = arith.extui %eq3A_158 : vector<5x128xi1> to vector<5x128xi32>
    %convert_element_type3A_160 = arith.sitofp %convert_element_type3A_159 : vector<5x128xi32> to vector<5x128xf32>
    %mul3A_161 = arith.mulf %sub3A_154, %convert_element_type3A_160 : vector<5x128xf32>
    %reduce_sum3A_162 = arith.constant dense<0.000000e+00> : vector<128xf32>
    %reduce_sum3A_163 = vector.multi_reduction <add>, %mul3A_161, %reduce_sum3A_162 [0] : vector<5x128xf32> to vector<128xf32>
    %broadcast_in_dim3A_164 = vector.shape_cast %reduce_sum3A_163 : vector<128xf32> to vector<1x128xf32>
    %exp3A_165 = math.exp %broadcast_in_dim3A_164 : vector<1x128xf32>
    %eq3A_166 = arith.constant 0.000000e+00 : f32
    %eq3A_167 = vector.broadcast %eq3A_166 : f32 to vector<1x128xf32>
    %eq3A_168 = arith.cmpf oeq, %get3A_138, %eq3A_167 : vector<1x128xf32>
    %jit3A_169 = arith.constant 2.500000e-01 : f32
    %jit3A_170 = arith.constant 7.500000e-01 : f32
    %broadcast_in_dim3A_171 = vector.broadcast %jit3A_169 : f32 to vector<1x128xf32>
    %broadcast_in_dim3A_172 = vector.broadcast %jit3A_170 : f32 to vector<1x128xf32>
    %select_n3A_173 = arith.select %eq3A_168, %broadcast_in_dim3A_171, %broadcast_in_dim3A_172 : vector<1x128xi1>, vector<1x128xf32>
    %neg3A_174 = arith.constant 0.000000e+00 : f32
    %neg3A_175 = vector.broadcast %neg3A_174 : f32 to vector<1x128xf32>
    %neg3A_176 = arith.subf %neg3A_175, %select_n3A_173 : vector<1x128xf32>
    %sub3A_177 = arith.constant 1.000000e+00 : f32
    %sub3A_178 = vector.broadcast %sub3A_177 : f32 to vector<1x128xf32>
    %sub3A_179 = arith.subf %sub3A_178, %exp3A_165 : vector<1x128xf32>
    %mul3A_180 = arith.mulf %neg3A_176, %sub3A_179 : vector<1x128xf32>
    %sub3A_181 = arith.constant 1.000000e+00 : f32
    %sub3A_182 = vector.broadcast %sub3A_181 : f32 to vector<1x128xf32>
    %sub3A_183 = arith.subf %sub3A_182, %exp3A_165 : vector<1x128xf32>
    %mul3A_184 = arith.mulf %mul3A_180, %sub3A_183 : vector<1x128xf32>
    %mul3A_185 = arith.mulf %mul3A_184, %broadcast_in_dim3A_164 : vector<1x128xf32>
    %slice3A_186 = vector.extract_strided_slice %sub3A_154 {offsets = [4, 0], sizes = [1, 128], strides = [1, 1]} : vector<5x128xf32> to vector<1x128xf32>
    %exp3A_187 = math.exp %slice3A_186 : vector<1x128xf32>
    %sub3A_188 = arith.constant 1.000000e+00 : f32
    %sub3A_189 = vector.broadcast %sub3A_188 : f32 to vector<1x128xf32>
    %sub3A_190 = arith.subf %sub3A_189, %exp3A_187 : vector<1x128xf32>
    %mul3A_191 = arith.constant -7.500000e-01 : f32
    %mul3A_192 = vector.broadcast %mul3A_191 : f32 to vector<1x128xf32>
    %mul3A_193 = arith.mulf %mul3A_192, %sub3A_190 : vector<1x128xf32>
    %sub3A_194 = arith.constant 1.000000e+00 : f32
    %sub3A_195 = vector.broadcast %sub3A_194 : f32 to vector<1x128xf32>
    %sub3A_196 = arith.subf %sub3A_195, %exp3A_187 : vector<1x128xf32>
    %mul3A_197 = arith.mulf %mul3A_193, %sub3A_196 : vector<1x128xf32>
    %mul3A_198 = arith.mulf %mul3A_197, %slice3A_186 : vector<1x128xf32>
    %sub3A_199 = arith.subf %mul3A_185, %mul3A_198 : vector<1x128xf32>
    %mul3A_200 = arith.mulf %get3A_135, %sub3A_199 : vector<1x128xf32>
    %reduce_sum3A_201 = vector.shape_cast %mul3A_200 : vector<1x128xf32> to vector<1x1x128xf32>
    %reduce_sum3A_202 = arith.constant dense<0.000000e+00> : vector<1xf32>
    %reduce_sum3A_203 = vector.multi_reduction <add>, %reduce_sum3A_201, %reduce_sum3A_202 [1, 2] : vector<1x1x128xf32> to vector<1xf32>
    %reduce_sum3A_204 = vector.shape_cast %reduce_sum3A_203 : vector<1xf32> to vector<1x1x1xf32>
    %reduce_sum3A_205 = vector.extract %reduce_sum3A_204[0, 0, 0] : f32 from vector<1x1x1xf32>
    %add3A_206 = arith.addf %add3A_132, %reduce_sum3A_205 : f32
    %get3A_207 = arith.constant 3 : index
    %get3A_208 = arith.constant 0 : index
    %get3A_209 = vector.load %arg5[%get3A_207, %get3A_208] : memref<8x128xf32, #tpu.memory_space<vmem>>, vector<1x128xf32>
    %get3A_210 = arith.constant 3 : index
    %get3A_211 = arith.constant 0 : index
    %get3A_212 = vector.load %arg6[%get3A_210, %get3A_211] : memref<8x128xf32, #tpu.memory_space<vmem>>, vector<1x128xf32>
    %get3A_213 = arith.constant 0 : index
    %get3A_214 = arith.constant 384 : index
    %get3A_215 = vector.load %arg0[%get3A_213, %get3A_214] : memref<5x1024xf32, #tpu.memory_space<vmem>>, vector<5x128xf32>
    %reduce_max3A_216 = arith.constant dense<0xFF800000> : vector<128xf32>
    %reduce_max3A_217 = vector.multi_reduction <maximumf>, %get3A_215, %reduce_max3A_216 [0] : vector<5x128xf32> to vector<128xf32>
    %broadcast_in_dim3A_218 = vector.shape_cast %reduce_max3A_217 : vector<128xf32> to vector<1x128xf32>
    %sub3A_219 = vector.broadcast %broadcast_in_dim3A_218 : vector<1x128xf32> to vector<5x128xf32>
    %sub3A_220 = arith.subf %get3A_215, %sub3A_219 : vector<5x128xf32>
    %exp3A_221 = math.exp %sub3A_220 : vector<5x128xf32>
    %reduce_sum3A_222 = arith.constant dense<0.000000e+00> : vector<128xf32>
    %reduce_sum3A_223 = vector.multi_reduction <add>, %exp3A_221, %reduce_sum3A_222 [0] : vector<5x128xf32> to vector<128xf32>
    %broadcast_in_dim3A_224 = vector.shape_cast %reduce_sum3A_223 : vector<128xf32> to vector<1x128xf32>
    %log3A_225 = math.log %broadcast_in_dim3A_224 : vector<1x128xf32>
    %add3A_226 = arith.addf %log3A_225, %broadcast_in_dim3A_218 : vector<1x128xf32>
    %sub3A_227 = vector.broadcast %add3A_226 : vector<1x128xf32> to vector<5x128xf32>
    %sub3A_228 = arith.subf %get3A_215, %sub3A_227 : vector<5x128xf32>
    %iota3A_229 = tpu.iota {dimensions = array<i32: 0>} : vector<5x128xi32>
    %convert_element_type3A_230 = arith.sitofp %iota3A_229 : vector<5x128xi32> to vector<5x128xf32>
    %eq3A_231 = vector.broadcast %get3A_212 : vector<1x128xf32> to vector<5x128xf32>
    %eq3A_232 = arith.cmpf oeq, %convert_element_type3A_230, %eq3A_231 : vector<5x128xf32>
    %convert_element_type3A_233 = arith.extui %eq3A_232 : vector<5x128xi1> to vector<5x128xi32>
    %convert_element_type3A_234 = arith.sitofp %convert_element_type3A_233 : vector<5x128xi32> to vector<5x128xf32>
    %mul3A_235 = arith.mulf %sub3A_228, %convert_element_type3A_234 : vector<5x128xf32>
    %reduce_sum3A_236 = arith.constant dense<0.000000e+00> : vector<128xf32>
    %reduce_sum3A_237 = vector.multi_reduction <add>, %mul3A_235, %reduce_sum3A_236 [0] : vector<5x128xf32> to vector<128xf32>
    %broadcast_in_dim3A_238 = vector.shape_cast %reduce_sum3A_237 : vector<128xf32> to vector<1x128xf32>
    %exp3A_239 = math.exp %broadcast_in_dim3A_238 : vector<1x128xf32>
    %eq3A_240 = arith.constant 0.000000e+00 : f32
    %eq3A_241 = vector.broadcast %eq3A_240 : f32 to vector<1x128xf32>
    %eq3A_242 = arith.cmpf oeq, %get3A_212, %eq3A_241 : vector<1x128xf32>
    %jit3A_243 = arith.constant 2.500000e-01 : f32
    %jit3A_244 = arith.constant 7.500000e-01 : f32
    %broadcast_in_dim3A_245 = vector.broadcast %jit3A_243 : f32 to vector<1x128xf32>
    %broadcast_in_dim3A_246 = vector.broadcast %jit3A_244 : f32 to vector<1x128xf32>
    %select_n3A_247 = arith.select %eq3A_242, %broadcast_in_dim3A_245, %broadcast_in_dim3A_246 : vector<1x128xi1>, vector<1x128xf32>
    %neg3A_248 = arith.constant 0.000000e+00 : f32
    %neg3A_249 = vector.broadcast %neg3A_248 : f32 to vector<1x128xf32>
    %neg3A_250 = arith.subf %neg3A_249, %select_n3A_247 : vector<1x128xf32>
    %sub3A_251 = arith.constant 1.000000e+00 : f32
    %sub3A_252 = vector.broadcast %sub3A_251 : f32 to vector<1x128xf32>
    %sub3A_253 = arith.subf %sub3A_252, %exp3A_239 : vector<1x128xf32>
    %mul3A_254 = arith.mulf %neg3A_250, %sub3A_253 : vector<1x128xf32>
    %sub3A_255 = arith.constant 1.000000e+00 : f32
    %sub3A_256 = vector.broadcast %sub3A_255 : f32 to vector<1x128xf32>
    %sub3A_257 = arith.subf %sub3A_256, %exp3A_239 : vector<1x128xf32>
    %mul3A_258 = arith.mulf %mul3A_254, %sub3A_257 : vector<1x128xf32>
    %mul3A_259 = arith.mulf %mul3A_258, %broadcast_in_dim3A_238 : vector<1x128xf32>
    %slice3A_260 = vector.extract_strided_slice %sub3A_228 {offsets = [4, 0], sizes = [1, 128], strides = [1, 1]} : vector<5x128xf32> to vector<1x128xf32>
    %exp3A_261 = math.exp %slice3A_260 : vector<1x128xf32>
    %sub3A_262 = arith.constant 1.000000e+00 : f32
    %sub3A_263 = vector.broadcast %sub3A_262 : f32 to vector<1x128xf32>
    %sub3A_264 = arith.subf %sub3A_263, %exp3A_261 : vector<1x128xf32>
    %mul3A_265 = arith.constant -7.500000e-01 : f32
    %mul3A_266 = vector.broadcast %mul3A_265 : f32 to vector<1x128xf32>
    %mul3A_267 = arith.mulf %mul3A_266, %sub3A_264 : vector<1x128xf32>
    %sub3A_268 = arith.constant 1.000000e+00 : f32
    %sub3A_269 = vector.broadcast %sub3A_268 : f32 to vector<1x128xf32>
    %sub3A_270 = arith.subf %sub3A_269, %exp3A_261 : vector<1x128xf32>
    %mul3A_271 = arith.mulf %mul3A_267, %sub3A_270 : vector<1x128xf32>
    %mul3A_272 = arith.mulf %mul3A_271, %slice3A_260 : vector<1x128xf32>
    %sub3A_273 = arith.subf %mul3A_259, %mul3A_272 : vector<1x128xf32>
    %mul3A_274 = arith.mulf %get3A_209, %sub3A_273 : vector<1x128xf32>
    %reduce_sum3A_275 = vector.shape_cast %mul3A_274 : vector<1x128xf32> to vector<1x1x128xf32>
    %reduce_sum3A_276 = arith.constant dense<0.000000e+00> : vector<1xf32>
    %reduce_sum3A_277 = vector.multi_reduction <add>, %reduce_sum3A_275, %reduce_sum3A_276 [1, 2] : vector<1x1x128xf32> to vector<1xf32>
    %reduce_sum3A_278 = vector.shape_cast %reduce_sum3A_277 : vector<1xf32> to vector<1x1x1xf32>
    %reduce_sum3A_279 = vector.extract %reduce_sum3A_278[0, 0, 0] : f32 from vector<1x1x1xf32>
    %add3A_280 = arith.addf %add3A_206, %reduce_sum3A_279 : f32
    %get3A_281 = arith.constant 4 : index
    %get3A_282 = arith.constant 0 : index
    %get3A_283 = vector.load %arg5[%get3A_281, %get3A_282] : memref<8x128xf32, #tpu.memory_space<vmem>>, vector<1x128xf32>
    %get3A_284 = arith.constant 4 : index
    %get3A_285 = arith.constant 0 : index
    %get3A_286 = vector.load %arg6[%get3A_284, %get3A_285] : memref<8x128xf32, #tpu.memory_space<vmem>>, vector<1x128xf32>
    %get3A_287 = arith.constant 0 : index
    %get3A_288 = arith.constant 512 : index
    %get3A_289 = vector.load %arg0[%get3A_287, %get3A_288] : memref<5x1024xf32, #tpu.memory_space<vmem>>, vector<5x128xf32>
    %reduce_max3A_290 = arith.constant dense<0xFF800000> : vector<128xf32>
    %reduce_max3A_291 = vector.multi_reduction <maximumf>, %get3A_289, %reduce_max3A_290 [0] : vector<5x128xf32> to vector<128xf32>
    %broadcast_in_dim3A_292 = vector.shape_cast %reduce_max3A_291 : vector<128xf32> to vector<1x128xf32>
    %sub3A_293 = vector.broadcast %broadcast_in_dim3A_292 : vector<1x128xf32> to vector<5x128xf32>
    %sub3A_294 = arith.subf %get3A_289, %sub3A_293 : vector<5x128xf32>
    %exp3A_295 = math.exp %sub3A_294 : vector<5x128xf32>
    %reduce_sum3A_296 = arith.constant dense<0.000000e+00> : vector<128xf32>
    %reduce_sum3A_297 = vector.multi_reduction <add>, %exp3A_295, %reduce_sum3A_296 [0] : vector<5x128xf32> to vector<128xf32>
    %broadcast_in_dim3A_298 = vector.shape_cast %reduce_sum3A_297 : vector<128xf32> to vector<1x128xf32>
    %log3A_299 = math.log %broadcast_in_dim3A_298 : vector<1x128xf32>
    %add3A_300 = arith.addf %log3A_299, %broadcast_in_dim3A_292 : vector<1x128xf32>
    %sub3A_301 = vector.broadcast %add3A_300 : vector<1x128xf32> to vector<5x128xf32>
    %sub3A_302 = arith.subf %get3A_289, %sub3A_301 : vector<5x128xf32>
    %iota3A_303 = tpu.iota {dimensions = array<i32: 0>} : vector<5x128xi32>
    %convert_element_type3A_304 = arith.sitofp %iota3A_303 : vector<5x128xi32> to vector<5x128xf32>
    %eq3A_305 = vector.broadcast %get3A_286 : vector<1x128xf32> to vector<5x128xf32>
    %eq3A_306 = arith.cmpf oeq, %convert_element_type3A_304, %eq3A_305 : vector<5x128xf32>
    %convert_element_type3A_307 = arith.extui %eq3A_306 : vector<5x128xi1> to vector<5x128xi32>
    %convert_element_type3A_308 = arith.sitofp %convert_element_type3A_307 : vector<5x128xi32> to vector<5x128xf32>
    %mul3A_309 = arith.mulf %sub3A_302, %convert_element_type3A_308 : vector<5x128xf32>
    %reduce_sum3A_310 = arith.constant dense<0.000000e+00> : vector<128xf32>
    %reduce_sum3A_311 = vector.multi_reduction <add>, %mul3A_309, %reduce_sum3A_310 [0] : vector<5x128xf32> to vector<128xf32>
    %broadcast_in_dim3A_312 = vector.shape_cast %reduce_sum3A_311 : vector<128xf32> to vector<1x128xf32>
    %exp3A_313 = math.exp %broadcast_in_dim3A_312 : vector<1x128xf32>
    %eq3A_314 = arith.constant 0.000000e+00 : f32
    %eq3A_315 = vector.broadcast %eq3A_314 : f32 to vector<1x128xf32>
    %eq3A_316 = arith.cmpf oeq, %get3A_286, %eq3A_315 : vector<1x128xf32>
    %jit3A_317 = arith.constant 2.500000e-01 : f32
    %jit3A_318 = arith.constant 7.500000e-01 : f32
    %broadcast_in_dim3A_319 = vector.broadcast %jit3A_317 : f32 to vector<1x128xf32>
    %broadcast_in_dim3A_320 = vector.broadcast %jit3A_318 : f32 to vector<1x128xf32>
    %select_n3A_321 = arith.select %eq3A_316, %broadcast_in_dim3A_319, %broadcast_in_dim3A_320 : vector<1x128xi1>, vector<1x128xf32>
    %neg3A_322 = arith.constant 0.000000e+00 : f32
    %neg3A_323 = vector.broadcast %neg3A_322 : f32 to vector<1x128xf32>
    %neg3A_324 = arith.subf %neg3A_323, %select_n3A_321 : vector<1x128xf32>
    %sub3A_325 = arith.constant 1.000000e+00 : f32
    %sub3A_326 = vector.broadcast %sub3A_325 : f32 to vector<1x128xf32>
    %sub3A_327 = arith.subf %sub3A_326, %exp3A_313 : vector<1x128xf32>
    %mul3A_328 = arith.mulf %neg3A_324, %sub3A_327 : vector<1x128xf32>
    %sub3A_329 = arith.constant 1.000000e+00 : f32
    %sub3A_330 = vector.broadcast %sub3A_329 : f32 to vector<1x128xf32>
    %sub3A_331 = arith.subf %sub3A_330, %exp3A_313 : vector<1x128xf32>
    %mul3A_332 = arith.mulf %mul3A_328, %sub3A_331 : vector<1x128xf32>
    %mul3A_333 = arith.mulf %mul3A_332, %broadcast_in_dim3A_312 : vector<1x128xf32>
    %slice3A_334 = vector.extract_strided_slice %sub3A_302 {offsets = [4, 0], sizes = [1, 128], strides = [1, 1]} : vector<5x128xf32> to vector<1x128xf32>
    %exp3A_335 = math.exp %slice3A_334 : vector<1x128xf32>
    %sub3A_336 = arith.constant 1.000000e+00 : f32
    %sub3A_337 = vector.broadcast %sub3A_336 : f32 to vector<1x128xf32>
    %sub3A_338 = arith.subf %sub3A_337, %exp3A_335 : vector<1x128xf32>
    %mul3A_339 = arith.constant -7.500000e-01 : f32
    %mul3A_340 = vector.broadcast %mul3A_339 : f32 to vector<1x128xf32>
    %mul3A_341 = arith.mulf %mul3A_340, %sub3A_338 : vector<1x128xf32>
    %sub3A_342 = arith.constant 1.000000e+00 : f32
    %sub3A_343 = vector.broadcast %sub3A_342 : f32 to vector<1x128xf32>
    %sub3A_344 = arith.subf %sub3A_343, %exp3A_335 : vector<1x128xf32>
    %mul3A_345 = arith.mulf %mul3A_341, %sub3A_344 : vector<1x128xf32>
    %mul3A_346 = arith.mulf %mul3A_345, %slice3A_334 : vector<1x128xf32>
    %sub3A_347 = arith.subf %mul3A_333, %mul3A_346 : vector<1x128xf32>
    %mul3A_348 = arith.mulf %get3A_283, %sub3A_347 : vector<1x128xf32>
    %reduce_sum3A_349 = vector.shape_cast %mul3A_348 : vector<1x128xf32> to vector<1x1x128xf32>
    %reduce_sum3A_350 = arith.constant dense<0.000000e+00> : vector<1xf32>
    %reduce_sum3A_351 = vector.multi_reduction <add>, %reduce_sum3A_349, %reduce_sum3A_350 [1, 2] : vector<1x1x128xf32> to vector<1xf32>
    %reduce_sum3A_352 = vector.shape_cast %reduce_sum3A_351 : vector<1xf32> to vector<1x1x1xf32>
    %reduce_sum3A_353 = vector.extract %reduce_sum3A_352[0, 0, 0] : f32 from vector<1x1x1xf32>
    %add3A_354 = arith.addf %add3A_280, %reduce_sum3A_353 : f32
    %get3A_355 = arith.constant 5 : index
    %get3A_356 = arith.constant 0 : index
    %get3A_357 = vector.load %arg5[%get3A_355, %get3A_356] : memref<8x128xf32, #tpu.memory_space<vmem>>, vector<1x128xf32>
    %get3A_358 = arith.constant 5 : index
    %get3A_359 = arith.constant 0 : index
    %get3A_360 = vector.load %arg6[%get3A_358, %get3A_359] : memref<8x128xf32, #tpu.memory_space<vmem>>, vector<1x128xf32>
    %get3A_361 = arith.constant 0 : index
    %get3A_362 = arith.constant 640 : index
    %get3A_363 = vector.load %arg0[%get3A_361, %get3A_362] : memref<5x1024xf32, #tpu.memory_space<vmem>>, vector<5x128xf32>
    %reduce_max3A_364 = arith.constant dense<0xFF800000> : vector<128xf32>
    %reduce_max3A_365 = vector.multi_reduction <maximumf>, %get3A_363, %reduce_max3A_364 [0] : vector<5x128xf32> to vector<128xf32>
    %broadcast_in_dim3A_366 = vector.shape_cast %reduce_max3A_365 : vector<128xf32> to vector<1x128xf32>
    %sub3A_367 = vector.broadcast %broadcast_in_dim3A_366 : vector<1x128xf32> to vector<5x128xf32>
    %sub3A_368 = arith.subf %get3A_363, %sub3A_367 : vector<5x128xf32>
    %exp3A_369 = math.exp %sub3A_368 : vector<5x128xf32>
    %reduce_sum3A_370 = arith.constant dense<0.000000e+00> : vector<128xf32>
    %reduce_sum3A_371 = vector.multi_reduction <add>, %exp3A_369, %reduce_sum3A_370 [0] : vector<5x128xf32> to vector<128xf32>
    %broadcast_in_dim3A_372 = vector.shape_cast %reduce_sum3A_371 : vector<128xf32> to vector<1x128xf32>
    %log3A_373 = math.log %broadcast_in_dim3A_372 : vector<1x128xf32>
    %add3A_374 = arith.addf %log3A_373, %broadcast_in_dim3A_366 : vector<1x128xf32>
    %sub3A_375 = vector.broadcast %add3A_374 : vector<1x128xf32> to vector<5x128xf32>
    %sub3A_376 = arith.subf %get3A_363, %sub3A_375 : vector<5x128xf32>
    %iota3A_377 = tpu.iota {dimensions = array<i32: 0>} : vector<5x128xi32>
    %convert_element_type3A_378 = arith.sitofp %iota3A_377 : vector<5x128xi32> to vector<5x128xf32>
    %eq3A_379 = vector.broadcast %get3A_360 : vector<1x128xf32> to vector<5x128xf32>
    %eq3A_380 = arith.cmpf oeq, %convert_element_type3A_378, %eq3A_379 : vector<5x128xf32>
    %convert_element_type3A_381 = arith.extui %eq3A_380 : vector<5x128xi1> to vector<5x128xi32>
    %convert_element_type3A_382 = arith.sitofp %convert_element_type3A_381 : vector<5x128xi32> to vector<5x128xf32>
    %mul3A_383 = arith.mulf %sub3A_376, %convert_element_type3A_382 : vector<5x128xf32>
    %reduce_sum3A_384 = arith.constant dense<0.000000e+00> : vector<128xf32>
    %reduce_sum3A_385 = vector.multi_reduction <add>, %mul3A_383, %reduce_sum3A_384 [0] : vector<5x128xf32> to vector<128xf32>
    %broadcast_in_dim3A_386 = vector.shape_cast %reduce_sum3A_385 : vector<128xf32> to vector<1x128xf32>
    %exp3A_387 = math.exp %broadcast_in_dim3A_386 : vector<1x128xf32>
    %eq3A_388 = arith.constant 0.000000e+00 : f32
    %eq3A_389 = vector.broadcast %eq3A_388 : f32 to vector<1x128xf32>
    %eq3A_390 = arith.cmpf oeq, %get3A_360, %eq3A_389 : vector<1x128xf32>
    %jit3A_391 = arith.constant 2.500000e-01 : f32
    %jit3A_392 = arith.constant 7.500000e-01 : f32
    %broadcast_in_dim3A_393 = vector.broadcast %jit3A_391 : f32 to vector<1x128xf32>
    %broadcast_in_dim3A_394 = vector.broadcast %jit3A_392 : f32 to vector<1x128xf32>
    %select_n3A_395 = arith.select %eq3A_390, %broadcast_in_dim3A_393, %broadcast_in_dim3A_394 : vector<1x128xi1>, vector<1x128xf32>
    %neg3A_396 = arith.constant 0.000000e+00 : f32
    %neg3A_397 = vector.broadcast %neg3A_396 : f32 to vector<1x128xf32>
    %neg3A_398 = arith.subf %neg3A_397, %select_n3A_395 : vector<1x128xf32>
    %sub3A_399 = arith.constant 1.000000e+00 : f32
    %sub3A_400 = vector.broadcast %sub3A_399 : f32 to vector<1x128xf32>
    %sub3A_401 = arith.subf %sub3A_400, %exp3A_387 : vector<1x128xf32>
    %mul3A_402 = arith.mulf %neg3A_398, %sub3A_401 : vector<1x128xf32>
    %sub3A_403 = arith.constant 1.000000e+00 : f32
    %sub3A_404 = vector.broadcast %sub3A_403 : f32 to vector<1x128xf32>
    %sub3A_405 = arith.subf %sub3A_404, %exp3A_387 : vector<1x128xf32>
    %mul3A_406 = arith.mulf %mul3A_402, %sub3A_405 : vector<1x128xf32>
    %mul3A_407 = arith.mulf %mul3A_406, %broadcast_in_dim3A_386 : vector<1x128xf32>
    %slice3A_408 = vector.extract_strided_slice %sub3A_376 {offsets = [4, 0], sizes = [1, 128], strides = [1, 1]} : vector<5x128xf32> to vector<1x128xf32>
    %exp3A_409 = math.exp %slice3A_408 : vector<1x128xf32>
    %sub3A_410 = arith.constant 1.000000e+00 : f32
    %sub3A_411 = vector.broadcast %sub3A_410 : f32 to vector<1x128xf32>
    %sub3A_412 = arith.subf %sub3A_411, %exp3A_409 : vector<1x128xf32>
    %mul3A_413 = arith.constant -7.500000e-01 : f32
    %mul3A_414 = vector.broadcast %mul3A_413 : f32 to vector<1x128xf32>
    %mul3A_415 = arith.mulf %mul3A_414, %sub3A_412 : vector<1x128xf32>
    %sub3A_416 = arith.constant 1.000000e+00 : f32
    %sub3A_417 = vector.broadcast %sub3A_416 : f32 to vector<1x128xf32>
    %sub3A_418 = arith.subf %sub3A_417, %exp3A_409 : vector<1x128xf32>
    %mul3A_419 = arith.mulf %mul3A_415, %sub3A_418 : vector<1x128xf32>
    %mul3A_420 = arith.mulf %mul3A_419, %slice3A_408 : vector<1x128xf32>
    %sub3A_421 = arith.subf %mul3A_407, %mul3A_420 : vector<1x128xf32>
    %mul3A_422 = arith.mulf %get3A_357, %sub3A_421 : vector<1x128xf32>
    %reduce_sum3A_423 = vector.shape_cast %mul3A_422 : vector<1x128xf32> to vector<1x1x128xf32>
    %reduce_sum3A_424 = arith.constant dense<0.000000e+00> : vector<1xf32>
    %reduce_sum3A_425 = vector.multi_reduction <add>, %reduce_sum3A_423, %reduce_sum3A_424 [1, 2] : vector<1x1x128xf32> to vector<1xf32>
    %reduce_sum3A_426 = vector.shape_cast %reduce_sum3A_425 : vector<1xf32> to vector<1x1x1xf32>
    %reduce_sum3A_427 = vector.extract %reduce_sum3A_426[0, 0, 0] : f32 from vector<1x1x1xf32>
    %add3A_428 = arith.addf %add3A_354, %reduce_sum3A_427 : f32
    %get3A_429 = arith.constant 6 : index
    %get3A_430 = arith.constant 0 : index
    %get3A_431 = vector.load %arg5[%get3A_429, %get3A_430] : memref<8x128xf32, #tpu.memory_space<vmem>>, vector<1x128xf32>
    %get3A_432 = arith.constant 6 : index
    %get3A_433 = arith.constant 0 : index
    %get3A_434 = vector.load %arg6[%get3A_432, %get3A_433] : memref<8x128xf32, #tpu.memory_space<vmem>>, vector<1x128xf32>
    %get3A_435 = arith.constant 0 : index
    %get3A_436 = arith.constant 768 : index
    %get3A_437 = vector.load %arg0[%get3A_435, %get3A_436] : memref<5x1024xf32, #tpu.memory_space<vmem>>, vector<5x128xf32>
    %reduce_max3A_438 = arith.constant dense<0xFF800000> : vector<128xf32>
    %reduce_max3A_439 = vector.multi_reduction <maximumf>, %get3A_437, %reduce_max3A_438 [0] : vector<5x128xf32> to vector<128xf32>
    %broadcast_in_dim3A_440 = vector.shape_cast %reduce_max3A_439 : vector<128xf32> to vector<1x128xf32>
    %sub3A_441 = vector.broadcast %broadcast_in_dim3A_440 : vector<1x128xf32> to vector<5x128xf32>
    %sub3A_442 = arith.subf %get3A_437, %sub3A_441 : vector<5x128xf32>
    %exp3A_443 = math.exp %sub3A_442 : vector<5x128xf32>
    %reduce_sum3A_444 = arith.constant dense<0.000000e+00> : vector<128xf32>
    %reduce_sum3A_445 = vector.multi_reduction <add>, %exp3A_443, %reduce_sum3A_444 [0] : vector<5x128xf32> to vector<128xf32>
    %broadcast_in_dim3A_446 = vector.shape_cast %reduce_sum3A_445 : vector<128xf32> to vector<1x128xf32>
    %log3A_447 = math.log %broadcast_in_dim3A_446 : vector<1x128xf32>
    %add3A_448 = arith.addf %log3A_447, %broadcast_in_dim3A_440 : vector<1x128xf32>
    %sub3A_449 = vector.broadcast %add3A_448 : vector<1x128xf32> to vector<5x128xf32>
    %sub3A_450 = arith.subf %get3A_437, %sub3A_449 : vector<5x128xf32>
    %iota3A_451 = tpu.iota {dimensions = array<i32: 0>} : vector<5x128xi32>
    %convert_element_type3A_452 = arith.sitofp %iota3A_451 : vector<5x128xi32> to vector<5x128xf32>
    %eq3A_453 = vector.broadcast %get3A_434 : vector<1x128xf32> to vector<5x128xf32>
    %eq3A_454 = arith.cmpf oeq, %convert_element_type3A_452, %eq3A_453 : vector<5x128xf32>
    %convert_element_type3A_455 = arith.extui %eq3A_454 : vector<5x128xi1> to vector<5x128xi32>
    %convert_element_type3A_456 = arith.sitofp %convert_element_type3A_455 : vector<5x128xi32> to vector<5x128xf32>
    %mul3A_457 = arith.mulf %sub3A_450, %convert_element_type3A_456 : vector<5x128xf32>
    %reduce_sum3A_458 = arith.constant dense<0.000000e+00> : vector<128xf32>
    %reduce_sum3A_459 = vector.multi_reduction <add>, %mul3A_457, %reduce_sum3A_458 [0] : vector<5x128xf32> to vector<128xf32>
    %broadcast_in_dim3A_460 = vector.shape_cast %reduce_sum3A_459 : vector<128xf32> to vector<1x128xf32>
    %exp3A_461 = math.exp %broadcast_in_dim3A_460 : vector<1x128xf32>
    %eq3A_462 = arith.constant 0.000000e+00 : f32
    %eq3A_463 = vector.broadcast %eq3A_462 : f32 to vector<1x128xf32>
    %eq3A_464 = arith.cmpf oeq, %get3A_434, %eq3A_463 : vector<1x128xf32>
    %jit3A_465 = arith.constant 2.500000e-01 : f32
    %jit3A_466 = arith.constant 7.500000e-01 : f32
    %broadcast_in_dim3A_467 = vector.broadcast %jit3A_465 : f32 to vector<1x128xf32>
    %broadcast_in_dim3A_468 = vector.broadcast %jit3A_466 : f32 to vector<1x128xf32>
    %select_n3A_469 = arith.select %eq3A_464, %broadcast_in_dim3A_467, %broadcast_in_dim3A_468 : vector<1x128xi1>, vector<1x128xf32>
    %neg3A_470 = arith.constant 0.000000e+00 : f32
    %neg3A_471 = vector.broadcast %neg3A_470 : f32 to vector<1x128xf32>
    %neg3A_472 = arith.subf %neg3A_471, %select_n3A_469 : vector<1x128xf32>
    %sub3A_473 = arith.constant 1.000000e+00 : f32
    %sub3A_474 = vector.broadcast %sub3A_473 : f32 to vector<1x128xf32>
    %sub3A_475 = arith.subf %sub3A_474, %exp3A_461 : vector<1x128xf32>
    %mul3A_476 = arith.mulf %neg3A_472, %sub3A_475 : vector<1x128xf32>
    %sub3A_477 = arith.constant 1.000000e+00 : f32
    %sub3A_478 = vector.broadcast %sub3A_477 : f32 to vector<1x128xf32>
    %sub3A_479 = arith.subf %sub3A_478, %exp3A_461 : vector<1x128xf32>
    %mul3A_480 = arith.mulf %mul3A_476, %sub3A_479 : vector<1x128xf32>
    %mul3A_481 = arith.mulf %mul3A_480, %broadcast_in_dim3A_460 : vector<1x128xf32>
    %slice3A_482 = vector.extract_strided_slice %sub3A_450 {offsets = [4, 0], sizes = [1, 128], strides = [1, 1]} : vector<5x128xf32> to vector<1x128xf32>
    %exp3A_483 = math.exp %slice3A_482 : vector<1x128xf32>
    %sub3A_484 = arith.constant 1.000000e+00 : f32
    %sub3A_485 = vector.broadcast %sub3A_484 : f32 to vector<1x128xf32>
    %sub3A_486 = arith.subf %sub3A_485, %exp3A_483 : vector<1x128xf32>
    %mul3A_487 = arith.constant -7.500000e-01 : f32
    %mul3A_488 = vector.broadcast %mul3A_487 : f32 to vector<1x128xf32>
    %mul3A_489 = arith.mulf %mul3A_488, %sub3A_486 : vector<1x128xf32>
    %sub3A_490 = arith.constant 1.000000e+00 : f32
    %sub3A_491 = vector.broadcast %sub3A_490 : f32 to vector<1x128xf32>
    %sub3A_492 = arith.subf %sub3A_491, %exp3A_483 : vector<1x128xf32>
    %mul3A_493 = arith.mulf %mul3A_489, %sub3A_492 : vector<1x128xf32>
    %mul3A_494 = arith.mulf %mul3A_493, %slice3A_482 : vector<1x128xf32>
    %sub3A_495 = arith.subf %mul3A_481, %mul3A_494 : vector<1x128xf32>
    %mul3A_496 = arith.mulf %get3A_431, %sub3A_495 : vector<1x128xf32>
    %reduce_sum3A_497 = vector.shape_cast %mul3A_496 : vector<1x128xf32> to vector<1x1x128xf32>
    %reduce_sum3A_498 = arith.constant dense<0.000000e+00> : vector<1xf32>
    %reduce_sum3A_499 = vector.multi_reduction <add>, %reduce_sum3A_497, %reduce_sum3A_498 [1, 2] : vector<1x1x128xf32> to vector<1xf32>
    %reduce_sum3A_500 = vector.shape_cast %reduce_sum3A_499 : vector<1xf32> to vector<1x1x1xf32>
    %reduce_sum3A_501 = vector.extract %reduce_sum3A_500[0, 0, 0] : f32 from vector<1x1x1xf32>
    %add3A_502 = arith.addf %add3A_428, %reduce_sum3A_501 : f32
    %get3A_503 = arith.constant 7 : index
    %get3A_504 = arith.constant 0 : index
    %get3A_505 = vector.load %arg5[%get3A_503, %get3A_504] : memref<8x128xf32, #tpu.memory_space<vmem>>, vector<1x128xf32>
    %get3A_506 = arith.constant 7 : index
    %get3A_507 = arith.constant 0 : index
    %get3A_508 = vector.load %arg6[%get3A_506, %get3A_507] : memref<8x128xf32, #tpu.memory_space<vmem>>, vector<1x128xf32>
    %get3A_509 = arith.constant 0 : index
    %get3A_510 = arith.constant 896 : index
    %get3A_511 = vector.load %arg0[%get3A_509, %get3A_510] : memref<5x1024xf32, #tpu.memory_space<vmem>>, vector<5x128xf32>
    %reduce_max3A_512 = arith.constant dense<0xFF800000> : vector<128xf32>
    %reduce_max3A_513 = vector.multi_reduction <maximumf>, %get3A_511, %reduce_max3A_512 [0] : vector<5x128xf32> to vector<128xf32>
    %broadcast_in_dim3A_514 = vector.shape_cast %reduce_max3A_513 : vector<128xf32> to vector<1x128xf32>
    %sub3A_515 = vector.broadcast %broadcast_in_dim3A_514 : vector<1x128xf32> to vector<5x128xf32>
    %sub3A_516 = arith.subf %get3A_511, %sub3A_515 : vector<5x128xf32>
    %exp3A_517 = math.exp %sub3A_516 : vector<5x128xf32>
    %reduce_sum3A_518 = arith.constant dense<0.000000e+00> : vector<128xf32>
    %reduce_sum3A_519 = vector.multi_reduction <add>, %exp3A_517, %reduce_sum3A_518 [0] : vector<5x128xf32> to vector<128xf32>
    %broadcast_in_dim3A_520 = vector.shape_cast %reduce_sum3A_519 : vector<128xf32> to vector<1x128xf32>
    %log3A_521 = math.log %broadcast_in_dim3A_520 : vector<1x128xf32>
    %add3A_522 = arith.addf %log3A_521, %broadcast_in_dim3A_514 : vector<1x128xf32>
    %sub3A_523 = vector.broadcast %add3A_522 : vector<1x128xf32> to vector<5x128xf32>
    %sub3A_524 = arith.subf %get3A_511, %sub3A_523 : vector<5x128xf32>
    %iota3A_525 = tpu.iota {dimensions = array<i32: 0>} : vector<5x128xi32>
    %convert_element_type3A_526 = arith.sitofp %iota3A_525 : vector<5x128xi32> to vector<5x128xf32>
    %eq3A_527 = vector.broadcast %get3A_508 : vector<1x128xf32> to vector<5x128xf32>
    %eq3A_528 = arith.cmpf oeq, %convert_element_type3A_526, %eq3A_527 : vector<5x128xf32>
    %convert_element_type3A_529 = arith.extui %eq3A_528 : vector<5x128xi1> to vector<5x128xi32>
    %convert_element_type3A_530 = arith.sitofp %convert_element_type3A_529 : vector<5x128xi32> to vector<5x128xf32>
    %mul3A_531 = arith.mulf %sub3A_524, %convert_element_type3A_530 : vector<5x128xf32>
    %reduce_sum3A_532 = arith.constant dense<0.000000e+00> : vector<128xf32>
    %reduce_sum3A_533 = vector.multi_reduction <add>, %mul3A_531, %reduce_sum3A_532 [0] : vector<5x128xf32> to vector<128xf32>
    %broadcast_in_dim3A_534 = vector.shape_cast %reduce_sum3A_533 : vector<128xf32> to vector<1x128xf32>
    %exp3A_535 = math.exp %broadcast_in_dim3A_534 : vector<1x128xf32>
    %eq3A_536 = arith.constant 0.000000e+00 : f32
    %eq3A_537 = vector.broadcast %eq3A_536 : f32 to vector<1x128xf32>
    %eq3A_538 = arith.cmpf oeq, %get3A_508, %eq3A_537 : vector<1x128xf32>
    %jit3A_539 = arith.constant 2.500000e-01 : f32
    %jit3A_540 = arith.constant 7.500000e-01 : f32
    %broadcast_in_dim3A_541 = vector.broadcast %jit3A_539 : f32 to vector<1x128xf32>
    %broadcast_in_dim3A_542 = vector.broadcast %jit3A_540 : f32 to vector<1x128xf32>
    %select_n3A_543 = arith.select %eq3A_538, %broadcast_in_dim3A_541, %broadcast_in_dim3A_542 : vector<1x128xi1>, vector<1x128xf32>
    %neg3A_544 = arith.constant 0.000000e+00 : f32
    %neg3A_545 = vector.broadcast %neg3A_544 : f32 to vector<1x128xf32>
    %neg3A_546 = arith.subf %neg3A_545, %select_n3A_543 : vector<1x128xf32>
    %sub3A_547 = arith.constant 1.000000e+00 : f32
    %sub3A_548 = vector.broadcast %sub3A_547 : f32 to vector<1x128xf32>
    %sub3A_549 = arith.subf %sub3A_548, %exp3A_535 : vector<1x128xf32>
    %mul3A_550 = arith.mulf %neg3A_546, %sub3A_549 : vector<1x128xf32>
    %sub3A_551 = arith.constant 1.000000e+00 : f32
    %sub3A_552 = vector.broadcast %sub3A_551 : f32 to vector<1x128xf32>
    %sub3A_553 = arith.subf %sub3A_552, %exp3A_535 : vector<1x128xf32>
    %mul3A_554 = arith.mulf %mul3A_550, %sub3A_553 : vector<1x128xf32>
    %mul3A_555 = arith.mulf %mul3A_554, %broadcast_in_dim3A_534 : vector<1x128xf32>
    %slice3A_556 = vector.extract_strided_slice %sub3A_524 {offsets = [4, 0], sizes = [1, 128], strides = [1, 1]} : vector<5x128xf32> to vector<1x128xf32>
    %exp3A_557 = math.exp %slice3A_556 : vector<1x128xf32>
    %sub3A_558 = arith.constant 1.000000e+00 : f32
    %sub3A_559 = vector.broadcast %sub3A_558 : f32 to vector<1x128xf32>
    %sub3A_560 = arith.subf %sub3A_559, %exp3A_557 : vector<1x128xf32>
    %mul3A_561 = arith.constant -7.500000e-01 : f32
    %mul3A_562 = vector.broadcast %mul3A_561 : f32 to vector<1x128xf32>
    %mul3A_563 = arith.mulf %mul3A_562, %sub3A_560 : vector<1x128xf32>
    %sub3A_564 = arith.constant 1.000000e+00 : f32
    %sub3A_565 = vector.broadcast %sub3A_564 : f32 to vector<1x128xf32>
    %sub3A_566 = arith.subf %sub3A_565, %exp3A_557 : vector<1x128xf32>
    %mul3A_567 = arith.mulf %mul3A_563, %sub3A_566 : vector<1x128xf32>
    %mul3A_568 = arith.mulf %mul3A_567, %slice3A_556 : vector<1x128xf32>
    %sub3A_569 = arith.subf %mul3A_555, %mul3A_568 : vector<1x128xf32>
    %mul3A_570 = arith.mulf %get3A_505, %sub3A_569 : vector<1x128xf32>
    %reduce_sum3A_571 = vector.shape_cast %mul3A_570 : vector<1x128xf32> to vector<1x1x128xf32>
    %reduce_sum3A_572 = arith.constant dense<0.000000e+00> : vector<1xf32>
    %reduce_sum3A_573 = vector.multi_reduction <add>, %reduce_sum3A_571, %reduce_sum3A_572 [1, 2] : vector<1x1x128xf32> to vector<1xf32>
    %reduce_sum3A_574 = vector.shape_cast %reduce_sum3A_573 : vector<1xf32> to vector<1x1x1xf32>
    %reduce_sum3A_575 = vector.extract %reduce_sum3A_574[0, 0, 0] : f32 from vector<1x1x1xf32>
    %add3A_576 = arith.addf %add3A_502, %reduce_sum3A_575 : f32
    %get3A_577 = arith.constant 0 : index
    %get3A_578 = arith.constant 0 : index
    %get3A_579 = vector.load %arg4[%get3A_577, %get3A_578] : memref<1x1xf32, #tpu.memory_space<vmem>>, vector<1x1xf32>
    %get3A_580 = vector.extract %get3A_579[0, 0] : f32 from vector<1x1xf32>
    %add3A_581 = arith.addf %get3A_580, %add3A_576 : f32
    %mul3A_582 = arith.constant 2.000000e+00 : f32
    %mul3A_583 = arith.mulf %mul3A_582, %add3A_581 : f32
    %div3A = arith.constant 4.096000e+03 : f32
    %div3A_584 = arith.divf %mul3A_583, %div3A : f32
    %get3A_585 = arith.constant 0 : index
    %get3A_586 = arith.constant 0 : index
    %get3A_587 = vector.load %arg1[%get3A_585, %get3A_586] : memref<64x1024xf32, #tpu.memory_space<vmem>>, vector<64x1024xf32>
    %log3A_588 = math.log %get3A_587 : vector<64x1024xf32>
    %reduce_sum3A_589 = vector.shape_cast %log3A_588 : vector<64x1024xf32> to vector<1x64x1024xf32>
    %reduce_sum3A_590 = arith.constant dense<0.000000e+00> : vector<1xf32>
    %reduce_sum3A_591 = vector.multi_reduction <add>, %reduce_sum3A_589, %reduce_sum3A_590 [1, 2] : vector<1x64x1024xf32> to vector<1xf32>
    %reduce_sum3A_592 = vector.shape_cast %reduce_sum3A_591 : vector<1xf32> to vector<1x1x1xf32>
    %reduce_sum3A_593 = vector.extract %reduce_sum3A_592[0, 0, 0] : f32 from vector<1x1x1xf32>
    %neg3A_594 = arith.constant 0.000000e+00 : f32
    %neg3A_595 = arith.subf %neg3A_594, %reduce_sum3A_593 : f32
    %div3A_596 = arith.constant 6.553600e+04 : f32
    %div3A_597 = arith.divf %neg3A_595, %div3A_596 : f32
    %mul3A_598 = arith.constant 1.000000e+00 : f32
    %mul3A_599 = arith.mulf %mul3A_598, %div3A_597 : f32
    %get3A_600 = arith.constant 0 : index
    %get3A_601 = arith.constant 0 : index
    %get3A_602 = vector.load %arg2[%get3A_600, %get3A_601] : memref<4x128xf32, #tpu.memory_space<vmem>>, vector<4x128xf32>
    %reduce_sum3A_603 = vector.shape_cast %get3A_602 : vector<4x128xf32> to vector<1x4x128xf32>
    %reduce_sum3A_604 = arith.constant dense<0.000000e+00> : vector<1xf32>
    %reduce_sum3A_605 = vector.multi_reduction <add>, %reduce_sum3A_603, %reduce_sum3A_604 [1, 2] : vector<1x4x128xf32> to vector<1xf32>
    %reduce_sum3A_606 = vector.shape_cast %reduce_sum3A_605 : vector<1xf32> to vector<1x1x1xf32>
    %reduce_sum3A_607 = vector.extract %reduce_sum3A_606[0, 0, 0] : f32 from vector<1x1x1xf32>
    %get3A_608 = arith.constant 0 : index
    %get3A_609 = arith.constant 0 : index
    %get3A_610 = vector.load %arg3[%get3A_608, %get3A_609] : memref<4x128xf32, #tpu.memory_space<vmem>>, vector<4x128xf32>
    %reduce_sum3A_611 = vector.shape_cast %get3A_610 : vector<4x128xf32> to vector<1x4x128xf32>
    %reduce_sum3A_612 = arith.constant dense<0.000000e+00> : vector<1xf32>
    %reduce_sum3A_613 = vector.multi_reduction <add>, %reduce_sum3A_611, %reduce_sum3A_612 [1, 2] : vector<1x4x128xf32> to vector<1xf32>
    %reduce_sum3A_614 = vector.shape_cast %reduce_sum3A_613 : vector<1xf32> to vector<1x1x1xf32>
    %reduce_sum3A_615 = vector.extract %reduce_sum3A_614[0, 0, 0] : f32 from vector<1x1x1xf32>
    %mul3A_616 = arith.constant 5.000000e+00 : f32
    %mul3A_617 = arith.mulf %mul3A_616, %reduce_sum3A_607 : f32
    %max3A = arith.constant 1.000000e+00 : f32
    %max3A_618 = arith.maximumf %reduce_sum3A_615, %max3A : f32
    %div3A_619 = arith.divf %mul3A_617, %max3A_618 : f32
    %reshape3A = vector.broadcast %div3A_584 : f32 to vector<1x1xf32>
    %swap3A = arith.constant 0 : index
    %swap3A_620 = arith.constant 0 : index
    %swap3A_621 = vector.load %arg7[%swap3A, %swap3A_620] : memref<1x1xf32, #tpu.memory_space<vmem>>, vector<1x1xf32>
    tpu.vector_store %arg7[%swap3A, %swap3A_620], %reshape3A {strides = array<i32>} : memref<1x1xf32, #tpu.memory_space<vmem>>, vector<1x1xf32>,
    %reshape3A_622 = vector.broadcast %mul3A_599 : f32 to vector<1x1xf32>
    %swap3A_623 = arith.constant 0 : index
    %swap3A_624 = arith.constant 0 : index
    %swap3A_625 = vector.load %arg8[%swap3A_623, %swap3A_624] : memref<1x1xf32, #tpu.memory_space<vmem>>, vector<1x1xf32>
    tpu.vector_store %arg8[%swap3A_623, %swap3A_624], %reshape3A_622 {strides = array<i32>} : memref<1x1xf32, #tpu.memory_space<vmem>>, vector<1x1xf32>,
    %reshape3A_626 = vector.broadcast %div3A_619 : f32 to vector<1x1xf32>
    %swap3A_627 = arith.constant 0 : index
    %swap3A_628 = arith.constant 0 : index
    %swap3A_629 = vector.load %arg9[%swap3A_627, %swap3A_628] : memref<1x1xf32, #tpu.memory_space<vmem>>, vector<1x1xf32>
    tpu.vector_store %arg9[%swap3A_627, %swap3A_628], %reshape3A_626 {strides = array<i32>} : memref<1x1xf32, #tpu.memory_space<vmem>>, vector<1x1xf32>,
    return
  }
}

</mosaic_0001>

<sc_bundles>
// kernel: kernel.5.cloned.1.call-start
scs
__scs_entry_jumppad:
0x0: {  	(pc) =	sbr.rel $0x88, $3  }
0x1: {  	(tag) =	ssettag $0x0;
	lr =	simm.s32 $0x1  }
0x2: {  	[smem:$0x3F99] =	sst lr;
	_ =	strace $0xD0000000  }
0x3: {  	_ = 	snop  }
0x4: {  	_ = 	snop  }
0x5: {  	_ = 	snop  }
0x6: {  	_ = 	snop  }
0x7: {  	_ = 	snop  }
__scs_overlays_trampoline_lowered:
0x8: {  	[smem:$0x3FA8] =	sst s0  }
0x9: {  	[smem:$0x3FA9] =	sst s1  }
0xa: {  	[smem:$0x3FAA] =	sst s2  }
0xb: {  	[smem:$0x3FAB] =	sst s3  }
0xc: {  	[smem:$0x3FAC] =	sst s4  }
0xd: {  	[smem:$0x3FAD] =	sst s5  }
0xe: {  	[smem:$0x3FAE] =	sst s6  }
0xf: {  	[smem:$0x3FAF] =	sst s7  }
0x10: {  	[smem:$0x3FB0] =	sst s8  }
0x11: {  	[smem:$0x3FB1] =	sst s9;
	s0 =	simm.s32 @!p0 $0x0  }
0x12: {  	s1 =	sld [smem:$0x3F97];
	s0 =	simm.s32 @p0 $0x1  }
0x13: {  	[smem:$0x3FB2] =	sst s0;
	s0 =	simm.s32 @!p1 $0x0  }
0x14: {  	s2 =	sld [smem:$0x3F96];
	s0 =	simm.s32 @p1 $0x1  }
0x15: {  	[smem:$0x3FB3] =	sst s0;
	s0 =	simm.s32 @!p2 $0x0  }
0x16: {  	s3 =	sld [smem:$0x3FDB];
	s0 =	simm.s32 @p2 $0x1  }
0x17: {  	s4 =	simm.s32 $0x1BF5;
	[smem:$0x3FB5] =	sst s0  }
0x18: {  	s0 =	sld [smem:$0x3F98];
	_ =	swait.ge [sflag:s4], $0x0  }
0x19: {  	s7 =	sld [smem:$0x3F99]  }
0x1a: {  	s8 =	sadd.s32 $0xFFFFE003, lr  }
0x1b: {  	s9 =	sadd.s32 $0xFFFFFEF7, lr;
	s5 =	simm.s32 $0xFFFFFFFF;
	p2 =	slt.u32 s8, $0xFFFFF086  }
0x1c: {  	p1 =	slt.u32 s9, $0xF7A;
	s5 =	simm.s32 @!p2 $0x0  }
0x1d: {  	s5 =	simm.s32 @p1 $0x1;
	p0 =	seq.s32 s7, s2  }
0x1e: {  	s7 =	smul.u32 @!p0 $0xF7A, s2;
	p2 =	seq.s32 @!p0 s5, $0x0  }
0x1f: {  	s9 =	smul.u32 $0xF7A, s1;
	s8 =	simm.s32 @!p0 $0x1BF5;
	p2 =	por !p2, p0  }
0x20: {  	[sflag:s8] =	ssyncset.s32 @!p0 $0xFFFFF086;
	s6 =	sadd.s32 @!p0 s3, s7;
	s7 =	simm.s32 @!p0 $0x108  }
0x21: {  	s3 =	sadd.s32 s3, s9;
	s6 =	sadd.s32 @!p0 $0x88, s6;
	s7 =	simm.s32 @p2 $0x1082  }
0x22: {  	[simem:s7], [sflag:s8] =	dma.local @!p0 [hbm:s6], $0xF7A  }
0x23: {  	s9 =	sor.u32 $0xD0000000, s2;
	s6 =	simm.s32 $0x108;
	_ =	swait.ge @!p0 [sflag:s8], $0x0  }
0x24: {  	s3 =	sadd.s32 $0x88, s3;
	s6 =	simm.s32 @!p1 $0x1082;
	[sflag:s4] =	ssyncset.s32 $0xFFFFF086  }
0x25: {  	[simem:s6], [sflag:s4] =	dma.local [hbm:s3], $0xF7A  }
0x26: {  	[smem:$0x3F99] =	sst s1;
	(tag) =	ssettag s2;
	_ =	strace s9  }
0x27: {  	s1 =	sld [smem:$0x3FA9]  }
0x28: {  	s2 =	sld [smem:$0x3FAA]  }
0x29: {  	s4 =	sld [smem:$0x3FAC]  }
0x2a: {  	p0 =	seq.s32 s5, $0x0;
	s5 =	sld [smem:$0x3FAD]  }
0x2b: {  	s6 =	sld [smem:$0x3FAE]  }
0x2c: {  	s7 =	sld [smem:$0x3FAF]  }
0x2d: {  	s3 =	simm.s32 $0x108;
	s8 =	sld [smem:$0x3FB0]  }
0x2e: {  	s3 =	simm.s32 @!p0 $0x1082;
	s9 =	sld [smem:$0x3FB1]  }
0x2f: {  	lr =	sadd.s32 s0, s3;
	s0 =	sld [smem:$0x3FA8]  }
0x30: {  	s3 =	sld [smem:$0x3FAB]  }
0x31: {  	[smem:$0x3FB4] =	sst s10  }
0x32: {  	s10 =	sld [smem:$0x3FB2];
	_ =	sdelay $0x3  }
0x33: {  	p0 =	seq.s32 s10, $0x1;
	s10 =	sld [smem:$0x3FB4];
	_ =	sdelay $0x3  }
0x34: {  	[smem:$0x3FB4] =	sst s10  }
0x35: {  	s10 =	sld [smem:$0x3FB3];
	_ =	sdelay $0x3  }
0x36: {  	p1 =	seq.s32 s10, $0x1;
	s10 =	sld [smem:$0x3FB4];
	_ =	sdelay $0x3  }
0x37: {  	[smem:$0x3FB4] =	sst s10  }
0x38: {  	s10 =	sld [smem:$0x3FB5]  }
0x39: {  	_ = 	snop;
	(pc) =	sbr.ind lr, $3  }
0x3a: {  	_ = 	snop  }
0x3b: {  	_ = 	snop  }
0x3c: {  	p2 =	seq.s32 s10, $0x1;
	s10 =	sld [smem:$0x3FB4]  }
0x3d: {  	_ =	shalt  }
0x3e: {  	_ =	shalt  }
0x3f: {  	_ =	shalt  }
0x40: {  	_ =	shalt  }
0x41: {  	_ =	shalt  }
0x42: {  	_ =	shalt  }
0x43: {  	_ =	shalt  }
0x44: {  	_ =	shalt  }
0x45: {  	_ =	shalt  }
0x46: {  	_ =	shalt  }
0x47: {  	_ =	shalt  }
0x48: {  	_ =	shalt  }
0x49: {  	_ =	shalt  }
0x4a: {  	_ =	shalt  }
0x4b: {  	_ =	shalt  }
0x4c: {  	_ =	shalt  }
0x4d: {  	_ =	shalt  }
0x4e: {  	_ =	shalt  }
0x4f: {  	_ =	shalt  }
0x50: {  	_ =	shalt  }
0x51: {  	_ =	shalt  }
0x52: {  	_ =	shalt  }
0x53: {  	_ =	shalt  }
0x54: {  	_ =	shalt  }
0x55: {  	_ =	shalt  }
0x56: {  	_ =	shalt  }
0x57: {  	_ =	shalt  }
0x58: {  	_ =	shalt  }
0x59: {  	_ =	shalt  }
0x5a: {  	_ =	shalt  }
0x5b: {  	_ =	shalt  }
0x5c: {  	_ =	shalt  }
0x5d: {  	_ =	shalt  }
0x5e: {  	_ =	shalt  }
0x5f: {  	_ =	shalt  }
0x60: {  	_ =	shalt  }
0x61: {  	_ =	shalt  }
0x62: {  	_ =	shalt  }
0x63: {  	_ =	shalt  }
0x64: {  	_ =	shalt  }
0x65: {  	_ =	shalt  }
0x66: {  	_ =	shalt  }
0x67: {  	_ =	shalt  }
0x68: {  	_ =	shalt  }
0x69: {  	_ =	shalt  }
0x6a: {  	_ =	shalt  }
0x6b: {  	_ =	shalt  }
0x6c: {  	_ =	shalt  }
0x6d: {  	_ =	shalt  }
0x6e: {  	_ =	shalt  }
0x6f: {  	_ =	shalt  }
0x70: {  	_ =	shalt  }
0x71: {  	_ =	shalt  }
0x72: {  	_ =	shalt  }
0x73: {  	_ =	shalt  }
0x74: {  	_ =	shalt  }
0x75: {  	_ =	shalt  }
0x76: {  	_ =	shalt  }
0x77: {  	_ =	shalt  }
0x78: {  	_ =	shalt  }
0x79: {  	_ =	shalt  }
0x7a: {  	_ =	shalt  }
0x7b: {  	_ =	shalt  }
0x7c: {  	_ =	shalt  }
0x7d: {  	_ =	shalt  }
0x7e: {  	_ =	shalt  }
0x7f: {  	_ =	shalt  }
0x80: {  	_ =	shalt  }
0x81: {  	_ =	shalt  }
0x82: {  	_ =	shalt  }
0x83: {  	_ =	shalt  }
0x84: {  	_ =	shalt  }
0x85: {  	_ =	shalt  }
0x86: {  	_ =	shalt  }
0x87: {  	_ =	shalt  }
.Lfunc_end0:
.L_simem_size_0:
called_computation_lowered:
.L_overlay_start_0:
0x88: {  	s2 =	sld [smem:$0x3FD9]  }
0x89: {  	s3 =	sld [smem:$0x3FFE];
	_ =	sdelay $0x1  }
0x8a: {  	s1 =	srdreg.scid  }
0x8b: {  	s0 =	sand.u32 $0x1, s1  }
0x8c: {  	s17 =	sshll.u32 s0, $0xA;
	s2 =	sadd.s32 s3, s2  }
0x8d: {  	s2 =	sadd.s32 s2, s17  }
0x8e: {  	[smem:$0x3FC0] =	sst s2  }
0x8f: {  	_ = 	snop  }
0x90: {  	s2 =	sld [smem:$0x3FC9]  }
0x91: {  	s18 =	sld [smem:$0x3FC8]  }
0x92: {  	s4 =	sld [smem:$0x3FC7]  }
0x93: {  	s5 =	sld [smem:$0x3FC6]  }
0x94: {  	s6 =	sld [smem:$0x3FC5]  }
0x95: {  	s7 =	sld [smem:$0x3FC3]  }
0x96: {  	s8 =	sld [smem:$0x3FC2];
	(tm) =	ssettm $0x1  }
0x97: {  	s9 =	sld [smem:$0x3FFB];
	_ =	sdelay $0x3  }
0x98: {  	_ =	strace s9  }
0x99: {  	s9 =	sld [smem:$0x3FFC];
	_ =	sdelay $0x3  }
0x9a: {  	_ =	strace s9  }
0x9b: {  	s9 =	sld [smem:$0x3FFD];
	_ =	sdelay $0x3  }
0x9c: {  	_ =	strace s9  }
0x9d: {  	_ =	strace $0x8FFFFFFF  }
0x9e: {  	s19 =	sld [smem:$0x3FDB];
	_ =	sdelay $0x1  }
0x9f: {  	s10 =	simm.s32 $_scs_section_size  }
0xa0: {  	s11 =	simm.s32 $_size__tile_overlayer_lowered;
	s12 =	simm.s32 $_tile_overlayer_lowered  }
0xa1: {  	s22 =	simm.s32 $0x1BFF;
	s21 =	sshll.u32 s12, $0x1;
	s9 =	sadd.s32 s10, s19  }
0xa2: {  	s13 =	simm.s32 $0x0;
	s20 =	sshll.u32 s11, $0x1;
	s11 =	sadd.s32 s21, s9  }
0xa3: {  	[timem:s13], [sflag:s22] =	dma.local [hbm:s11], s20  }
0xa4: {  	_ =	swait.ge [sflag:s22], s20  }
0xa5: {  	s10 =	ssub.s32 $0x0, s20;
	[sflag:s22] =	ssyncset.done $0x0  }
0xa6: {  	[sflag:s22] =	ssyncadd.s32 s10;
	_ =	sdelay $0x1  }
0xa7: {  	s23 =	simm.s32 $0x1B8B  }
0xa8: {  	_ =	swait.ge [sflag:s23], $0x1  }
0xa9: {  	[sflag:s23] =	ssyncset.done $0x0  }
0xaa: {  	s25 =	simm.s32 $0x1B8E;
	s24 =	sld [smem:$0x3FFE];
	[sflag:s23] =	ssyncadd.s32 $0xFFFFFFFF  }
0xab: {  	s26 =	simm.s32 $execute0_lowered;
	[smem:$0x3FD2] =	sst s25  }
0xac: {  	s11 =	sshll.u32 s26, $0x1;
	_ =	strace $0x80000046;
	[dreg:$0x1] =	wrdreg $0xFFFFFFFF  }
0xad: {  	s28 =	simm.s32 $_size_execute0_lowered;
	s9 =	sadd.s32 s9, s11;
	[dreg:$0x0] =	wrdreg $0x0  }
0xae: {  	s11 =	sshll.u32 s28, $0x1;
	[dreg:$0x2] =	wrdreg s9  }
0xaf: {  	[dreg:$0x3] =	wrdreg s11  }
0xb0: {  	[dreg:$0x4] =	wrdreg $0xC0  }
0xb1: {  	_ =	task [dreg:s13], $0x5FFFF  }
0xb2: {  	[dreg:$0x1] =	wrdreg $0xFFFFFFFF  }
0xb3: {  	[dreg:$0x0] =	wrdreg $0x60  }
0xb4: {  	[dreg:$0x2] =	wrdreg s5  }
0xb5: {  	[dreg:$0x3] =	wrdreg s6  }
0xb6: {  	[dreg:$0x4] =	wrdreg s4  }
0xb7: {  	[dreg:$0x5] =	wrdreg s18  }
0xb8: {  	[dreg:$0x6] =	wrdreg s7  }
0xb9: {  	[dreg:$0x7] =	wrdreg s8  }
0xba: {  	[dreg:$0x8] =	wrdreg s2  }
0xbb: {  	[dreg:$0x9] =	wrdreg s24  }
0xbc: {  	[dreg:$0xa] =	wrdreg $0x9  }
0xbd: {  	_ =	task.clear_ibuf [dreg:s13], $0xBFFFF;
	_ =	strace $0x90000046  }
0xbe: {  	s29 =	simm.s32 $0x9;
	_ =	strace $0x80000048  }
0xbf: {  	_ =	swait.ge [sflag:s29], $0x1  }
0xc0: {  	[sflag:s29] =	ssyncadd.s32 $0xFFFFFFFF  }
0xc1: {  	_ =	strace $0x90000048  }
0xc2: {  	_ =	sfence  }
0xc3: {  	s30 =	sld [smem:$0x0];
	_ =	sdelay $0x2  }
0xc4: {  	s31 =	sshll.u32 s1, $0xD;
	s1 =	sshrl.u32 s1, $0x2  }
0xc5: {  	s3 =	sand.u32 $0x4000, s31;
	s1 =	sadd.s32 s1, s30  }
0xc6: {  	s0 =	sor.u32 s3, s0;
	s1 =	sshll.u32 s1, $0x11  }
0xc7: {  	s0 =	sor.u32 s1, s0  }
0xc8: {  	s0 =	sadd.s32 $0x8F2B, s0  }
0xc9: {  	[sflag:s0] =	ssyncadd.remote.s32 $0x1  }
0xca: {  	_ =	sfence.sel $0xFFFF  }
0xcb: {  	[dreg:$0x0] =	wrdreg $0xFFFFFFFF;
	(pc) =	sbr.abs _section_cstart, $3  }
0xcc: {  	[dreg:$0x1] =	wrdreg $0xFFFFFFFF  }
0xcd: {  	_ =	task.clear_ibuf [dreg:s13], $0x2FFFF;
	_ =	strace $0x9FFFFFFF  }
0xce: {  	(tm) =	ssettm $0x7FFFFFFF  }
0xcf: {  	_ =	shalt  }
tec
execute0_lowered:
.L_overlay_start_1:
0x0: {  	(tag) =	ssettag $0x1  }
0x1: {  	s0 =	rddreg [dreg:$0x2]  }
0x2: {  	s2 =	rddreg [dreg:$0x3]  }
0x3: {  	s3 =	rddreg [dreg:$0x4]  }
0x4: {  	s7 =	rddreg [dreg:$0x5]  }
0x5: {  	s10 =	rddreg [dreg:$0x6];
	s4 =	srdreg.scid  }
0x6: {  	s1 =	stileid.u32;
	s6 =	rddreg [dreg:$0x7];
	s28 =	simm.s32 $0x2  }
0x7: {  	s29 =	simm.s32 $0x9C00;
	s30 =	simm.s32 $0x9C80;
	s31 =	simm.s32 $0x0  }
0x8: {  	s8 =	sand.u32 $0x1, s4;
	s19 =	sshll.u32 s1, $0x1;
	s4 =	simm.s32 $0x0  }
0x9: {  	s11 =	sshrl.u32 s1, $0x1;
	p0 =	sgt.u32 s1, $0x3;
	s9 =	sor.u32 s8, s19  }
0xa: {  	[smem:$0x7FF] =	sst s4;
	s25 =	sshll.u32 s11, $0x7;
	s20 =	ssub.s32 $0x2, s8  }
0xb: {  	s21 =	sshll.u32 s11, $0xC;
	s22 =	sshll.u32 s11, $0xD;
	s23 =	sshll.u32 s11, $0x5  }
0xc: {  	s12 =	sand.u32 $0x3, s9;
	_ =	strace $0x80000047;
	s5 =	sshll.u32 s9, $0x7  }
0xd: {  	s17 =	sshll.u32 s9, $0x1;
	s18 =	sshrl.u32 s20, $0x1;
	s0 =	sadd.s32 s0, s21  }
0xe: {  	s26 =	sshll.u32 s9, $0x4;
	s21 =	simm.s32 $0x100;
	s13 =	sshll.u32 s12, $0xB  }
0xf: {  	s16 =	sadd.s32 s5, s6;
	s17 =	sadd.s32 s17, s6;
	s19 =	sshll.u32 s12, $0xA  }
0x10: {  	s18 =	ssub.s32 s20, s18;
	s24 =	sshll.u32 s12, $0xC;
	s10 =	sadd.s32 s10, s26  }
0x11: {  	s20 =	simm.s32 $0x3000;
	s26 =	simm.s32 $0x9800;
	s14 =	sor.u32 s25, s13  }
0x12: {  	v1 =	vmov s25;
	s12 =	sadd.s32 $0x3C00, s16;
	s16 =	simm.s32 $0x400;
	s25 =	simm.s32 $0x8000  }
0x13: {  	s15 =	sadd.s32 s14, s6;
	s6 =	sadd.s32 s19, s0;
	s7 =	sadd.s32 s7, s14  }
.Ltmp0:
0x14: {  	s0 =	sadd.s32 s2, s22;
	s2 =	sadd.s32 s3, s23;
	(pc) =	sbr.rel .LBB2_1-.Ltmp0, $4  }
0x15: {  	s14 =	sadd.s32 $0x4200, s17;
	s19 =	simm.s32 $0x2800;
	s22 =	simm.s32 $0x7000  }
0x16: {  	v0 =	vlaneseq.u32;
	s23 =	simm.s32 $0x1;
	s8 =	sadd.s32 s13, s0;
	s9 =	sadd.s32 s24, s2  }
0x17: {  	v2 =	vimm.f32 $0.0e+00;
	v3 =	vor.u32 $0x80, v0;
	s11 =	sadd.s32 $0x1C00, s15;
	s13 =	sadd.s32 $0x4000, s17;
	s15 =	smax.u32 s18, $0x1  }
0x18: {  	v4 =	vor.u32 $0x100, v0;
	v5 =	vor.u32 $0x180, v0;
	v6 =	vor.u32 $0x200, v0;
	s17 =	simm.s32 $0x800;
	s18 =	simm.s32 $0x2000;
	s24 =	simm.s32 $0x9000  }
.LBB2_9:
0x19: {  	[tilespmem:$0x9C00] =	vst v7  }
0x1a: {  	[tilespmem:$0x9C80] =	vst v8  }
0x1b: {  	[hbm4b:s13+s4] =	stream.linear.scatter [tilespmem:s29], [sflag:$0x2], $0x10, $0x38;
	[tilespmem:$0x9D00] =	vst v63  }
0x1c: {  	_ = 	snop  }
0x1d: {  	[hbm4b:s14+s4] =	stream.linear.scatter [tilespmem:s30], [sflag:$0x2], $0x10, $0x38;
	[tilespmem:$0x9D00] =	vst v63  }
0x1e: {  	_ =	swait.ge [sflag:s28], $0x800  }
0x1f: {  	[sflag:s28] =	ssyncset.done $0x0  }
0x20: {  	s31 =	sadd.s32 $0x1, s31;
	[sflag:s28] =	ssyncadd.s32 $0xFFFFF800  }
0x21: {  	p1 =	sne.s32 s31, s15;
	_ =	swait.ge [sflag:s28], $0x10  }
.Ltmp1:
0x22: {  	[sflag:s28] =	ssyncset.done $0x0;
	(pc) =	sbr.rel @!p1 .LBB2_10-.Ltmp1, $4  }
0x23: {  	[sflag:s28] =	ssyncadd.s32 $0xFFFFFFF0  }
0x24: {  	_ =	swait.ge [sflag:s28], $0x10  }
0x25: {  	[sflag:s28] =	ssyncset.done $0x0  }
0x26: {  	[sflag:s28] =	ssyncadd.s32 $0xFFFFFFF0  }
.LBB2_1:
0x27: {  	s0 =	rddreg [dreg:$0x0]  }
0x28: {  	[tilespmem:s4], [sflag:$0x1] =	stream.linear.gather [hbm4b:s0+s4], $0x400, $0x38;
	[tilespmem:$0x9D00] =	vst v63  }
0x29: {  	s3 =	rddreg [dreg:$0x1]  }
0x2a: {  	[tilespmem:s16], [sflag:$0x1] =	stream.linear.gather [hbm4b:s3+s4], $0x400, $0x38;
	[tilespmem:$0x9D00] =	vst v63  }
0x2b: {  	_ = 	snop  }
0x2c: {  	[tilespmem:s17], [sflag:$0x1] =	stream.linear.gather [hbm4b:s6+s4], $0x2000, $0x38;
	[tilespmem:$0x9D00] =	vst v63  }
0x2d: {  	_ = 	snop  }
0x2e: {  	[tilespmem:s19], [sflag:$0x1] =	stream.strided.gather [hbm4b:s7+s16], $0x800, s18, s16, $0x38;
	[tilespmem:$0x9D00] =	vst v63  }
0x2f: {  	_ = 	snop  }
0x30: {  	[tilespmem:s20], [sflag:$0x1] =	stream.linear.gather [hbm4b:s8+s4], $0x4000, $0x38;
	[tilespmem:$0x9D00] =	vst v63  }
0x31: {  	_ = 	snop  }
0x32: {  	[tilespmem:s22], [sflag:$0x1] =	stream.strided.gather [hbm4b:s9+s21], $0x1000, s17, s21, $0x38;
	[tilespmem:$0x9D00] =	vst v63  }
0x33: {  	s2 =	simm.s32 @!p0 $0x1000;
	s0 =	simm.s32 @!p0 $0x80;
	s3 =	simm.s32 @!p0 $0x8000  }
0x34: {  	[tilespmem:s3], [sflag:$0x1] =	stream.strided.gather @!p0 [hbm4b:s10+s0], $0x280, s2, s0, $0x38;
	[tilespmem:$0x9D00] =	vst v63  }
0x35: {  	s1 =	simm.s32 @!p0 $0x8400;
	s3 =	sadd.s32 @!p0 $0x80, s10  }
0x36: {  	[tilespmem:s1], [sflag:$0x1] =	stream.strided.gather @!p0 [hbm4b:s3+s0], $0x280, s2, s0, $0x38;
	[tilespmem:$0x9D00] =	vst v63  }
0x37: {  	s1 =	sadd.s32 @!p0 $0x100, s10;
	s3 =	simm.s32 @!p0 $0x8800  }
0x38: {  	[tilespmem:s3], [sflag:$0x1] =	stream.strided.gather @!p0 [hbm4b:s1+s0], $0x280, s2, s0, $0x38;
	[tilespmem:$0x9D00] =	vst v63  }
0x39: {  	s1 =	sadd.s32 @!p0 $0x180, s10;
	s3 =	simm.s32 @!p0 $0x8C00  }
0x3a: {  	[tilespmem:s3], [sflag:$0x1] =	stream.strided.gather @!p0 [hbm4b:s1+s0], $0x280, s2, s0, $0x38;
	[tilespmem:$0x9D00] =	vst v63  }
0x3b: {  	s0 =	simm.s32 @!p0 $0x1  }
0x3c: {  	_ =	swait.ge @!p0 [sflag:s0], $0xA00  }
0x3d: {  	[sflag:s0] =	ssyncset.done @!p0 $0x0  }
0x3e: {  	[sflag:s0] =	ssyncadd.s32 @!p0 $0xFFFFF600  }
0x3f: {  	_ =	swait.ge [sflag:s23], $0x400  }
0x40: {  	[sflag:s23] =	ssyncset.done $0x0  }
0x41: {  	[sflag:s23] =	ssyncadd.s32 $0xFFFFFC00  }
0x42: {  	_ =	swait.ge [sflag:s23], $0x400  }
0x43: {  	[sflag:s23] =	ssyncset.done $0x0  }
0x44: {  	[sflag:s23] =	ssyncadd.s32 $0xFFFFFC00  }
0x45: {  	_ =	swait.ge [sflag:s23], $0x2000  }
0x46: {  	[sflag:s23] =	ssyncset.done $0x0  }
0x47: {  	[sflag:s23] =	ssyncadd.s32 $0xFFFFE000  }
0x48: {  	_ =	swait.ge [sflag:s23], $0x800  }
0x49: {  	[sflag:s23] =	ssyncset.done $0x0  }
0x4a: {  	[sflag:s23] =	ssyncadd.s32 $0xFFFFF800  }
0x4b: {  	_ =	swait.ge [sflag:s23], $0x4000  }
0x4c: {  	[sflag:s23] =	ssyncset.done $0x0  }
0x4d: {  	[sflag:s23] =	ssyncadd.s32 $0xFFFFC000  }
0x4e: {  	_ =	swait.ge [sflag:s23], $0x1000  }
0x4f: {  	[sflag:s23] =	ssyncset.done $0x0  }
0x50: {  	v8 =	vimm.f32 $0.0e+00;
	v7 =	vimm.f32 $0.0e+00;
	s3 =	simm.s32 $0x0;
	[sflag:s23] =	ssyncadd.s32 $0xFFFFF000  }
.LBB2_2:
0x51: {  	s0 =	sshll.u32 s3, $0x4  }
0x52: {  	v9 =	vor.u32 s0, v0  }
0x53: {  	v10 =	vor.u32 v1, v9;
	_ =	sdelay $0x3  }
0x54: {  	s2 =	simm.s32 $0x0  }
0x55: {  	v11 =	vld.idx.msk [tilespmem:v10+s2+$0x0], $0xffff;
	_ =	sdelay $0x3  }
0x56: {  	v16 =	vmov s2  }
0x57: {  	v13 =	vshll.u32 v16, $0x9;
	v10 =	vld.idx.msk [tilespmem:v10+s16+$0x0], $0xffff;
	v12 =	vshrl.u32 v11, $0x7  }
0x58: {  	v17 =	vshll.u32 v16, $0x7;
	v13 =	vand.u32 $0x1000, v13;
	v14 =	vshll.u32 v12, $0xA  }
0x59: {  	v15 =	vand.u32 $0x300, v17;
	v13 =	vadd.s32 v14, v13  }
0x5a: {  	v11 =	vand.u32 $0x7F, v11;
	v13 =	vor.u32 v15, v13  }
0x5b: {  	v18 =	vor.u32 v11, v13  }
0x5c: {  	v19 =	vadd.s32 v10, v17;
	_ =	sdelay $0x1  }
0x5d: {  	s1 =	simm.s32 $0x1  }
0x5e: {  	v20 =	vmov s1  }
0x5f: {  	v21 =	vshll.u32 v20, $0x9;
	v18 =	vld.idx.msk [tilespmem:v18+s17+$0x0], $0xffff  }
0x60: {  	v22 =	vshll.u32 v20, $0x7;
	v23 =	vshll.u32 v16, $0xA;
	v16 =	vshll.u32 v16, $0x8;
	v19 =	vld.idx.msk [tilespmem:v19+s19+$0x0], $0xffff  }
0x61: {  	v21 =	vand.u32 $0x1000, v21;
	v24 =	vand.u32 $0x380, v22;
	v15 =	vshll.u32 v12, $0x8  }
0x62: {  	v25 =	vor.u32 v9, v17;
	v21 =	vadd.s32 v14, v21;
	v23 =	vadd.s32 v15, v23  }
0x63: {  	v21 =	vor.u32 v24, v21;
	v13 =	vadd.s32 $0x80, v10;
	v24 =	vor.u32 v11, v23  }
0x64: {  	s1 =	simm.s32 $0x3;
	v28 =	vadd.s32 v16, v13;
	v27 =	vsub.f32 $1.000000000e+00, v18  }
0x65: {  	v30 =	vmov s1;
	v29 =	vadd.s32 v10, v16;
	vm0 =	veq.s32 v19, $0x0  }
0x66: {  	v12 =	vor.u32 $0x80, v11;
	v21 =	vor.u32 v11, v21;
	v19 =	vsel vm0, v27, v18  }
0x67: {  	v17 =	vshll.u32 v20, $0xA;
	v20 =	vshll.u32 v20, $0x8;
	v23 =	vor.u32 v23, v12;
	[tilespmem:v25+s24+$0x0] =	vst.idx.msk $0xffff, v19  }
0x68: {  	v26 =	vadd.s32 v15, v17;
	v17 =	vadd.s32 v10, v20;
	v27 =	vadd.s32 v10, v22;
	v24 =	vld.idx.msk [tilespmem:v24+s20+$0x0], $0xffff  }
0x69: {  	s2 =	simm.s32 $0x2;
	v16 =	vor.u32 v26, v12;
	v18 =	vadd.s32 v20, v13;
	v20 =	vor.u32 v11, v26;
	v26 =	vld.idx.msk [tilespmem:v28+s22+$0x0], $0xffff  }
0x6a: {  	v31 =	vor.u32 v9, v22;
	v22 =	vshll.u32 v30, $0x9;
	v25 =	vmov s2;
	v29 =	vld.idx.msk [tilespmem:v29+s22+$0x0], $0xffff  }
0x6b: {  	v19 =	vshll.u32 v25, $0x9;
	v32 =	vshll.u32 v25, $0x7;
	v34 =	vld.idx.msk [tilespmem:v21+s17+$0x0], $0xffff;
	v21 =	vand.u32 $0x1000, v22  }
0x6c: {  	v23 =	vld.idx.msk [tilespmem:v23+s20+$0x0], $0xffff;
	v28 =	vand.u32 $0x1000, v19;
	v19 =	vshll.u32 v30, $0x7;
	v33 =	vand.u32 $0x300, v32  }
0x6d: {  	v36 =	vadd.s32 v10, v32;
	v28 =	vadd.s32 v14, v28;
	v35 =	vand.u32 $0x380, v19;
	v27 =	vld.idx.msk [tilespmem:v27+s19+$0x0], $0xffff  }
0x6e: {  	v22 =	vor.u32 v33, v28;
	v28 =	vadd.s32 v14, v21;
	v21 =	vshll.u32 v25, $0xA  }
0x6f: {  	v33 =	vor.u32 v11, v22;
	v21 =	vadd.s32 v15, v21;
	v22 =	vshll.u32 v25, $0x8  }
0x70: {  	vm0 =	vlt.f32 v26, $-1.000000000e+04;
	vm1 =	vlt.f32 v29, $-1.000000000e+04;
	v24 =	vsub.f32 v24, v29  }
0x71: {  	vm2 =	vgt.f32 v29, $-1.000000000e+04;
	v25 =	vsub.f32 $1.000000000e+00, v34;
	v23 =	vsub.f32 v23, v26  }
0x72: {  	v29 =	vshll.u32 v30, $0x8;
	vm1 =	vmor vm2, vm1;
	vm2 =	veq.s32 v27, $0x0  }
0x73: {  	v24 =	vand.u32 $0x7FFFFFFF, v24;
	v27 =	vsel vm1, $0x3F800000, v2;
	v25 =	vsel vm2, v25, v34  }
0x74: {  	vm1 =	vgt.f32 v26, $-1.000000000e+04;
	v37 =	vmul.f32 v27, v24;
	v8 =	vadd.f32 v27, v8;
	[tilespmem:v31+s24+$0x0] =	vst.idx.msk $0xffff, v25  }
0x75: {  	v24 =	vor.u32 v9, v32;
	v27 =	vor.u32 v35, v28;
	v28 =	vshll.u32 v30, $0xA;
	v25 =	vld.idx.msk [tilespmem:v33+s17+$0x0], $0xffff  }
0x76: {  	s2 =	simm.s32 $0x4;
	vm0 =	vmor vm1, vm0;
	v28 =	vadd.s32 v15, v28;
	v7 =	vadd.f32 v37, v7;
	v26 =	vld.idx.msk [tilespmem:v36+s19+$0x0], $0xffff  }
.LBB2_3:
0x77: {  	s0 =	sadd.s32 $0x1, s2  }
0x78: {  	p1 =	slt.u32 s2, $0xE;
	v30 =	vadd.s32 v10, v29;
	v31 =	vor.u32 v28, v12;
	v29 =	vadd.s32 v29, v13;
	v32 =	vld.idx.msk [tilespmem:v20+s20+$0x0], $0xffff;
	s1 =	smov.u32 s2;
	s2 =	sadd.s32 $0x2, s2  }
0x79: {  	v34 =	vor.u32 v9, v19;
	v20 =	vor.u32 v11, v28;
	v33 =	vmov s0;
	v28 =	vld.idx.msk [tilespmem:v16+s20+$0x0], $0xffff;
	v16 =	vmovc v31  }
0x7a: {  	v35 =	vadd.s32 v10, v19;
	v31 =	vshll.u32 v33, $0x9;
	v19 =	vshll.u32 v33, $0x7;
	v36 =	vld.idx.msk [tilespmem:v17+s22+$0x0], $0xffff;
	v17 =	vmovc v30  }
0x7b: {  	v27 =	vor.u32 v11, v27;
	v30 =	vand.u32 $0x1000, v31;
	v31 =	vand.u32 $0x380, v19;
	v37 =	vld.idx.msk [tilespmem:v18+s22+$0x0], $0xffff;
	v18 =	vmovc v29  }
0x7c: {  	v38 =	vadd.s32 v10, v22;
	v29 =	vadd.s32 v14, v30;
	v30 =	vor.u32 v11, v21  }
0x7d: {  	v22 =	vadd.s32 v22, v13;
	v39 =	vsub.f32 $1.000000000e+00, v25;
	v21 =	vor.u32 v21, v12  }
0x7e: {  	v23 =	vand.u32 $0x7FFFFFFF, v23;
	vm1 =	veq.s32 v26, $0x0;
	v26 =	vsel vm0, $0x3F800000, v2  }
0x7f: {  	v25 =	vsel vm1, v39, v25;
	v23 =	vmul.f32 v26, v23;
	v8 =	vadd.f32 v26, v8  }
0x80: {  	vm0 =	vlt.f32 v36, $-1.000000000e+04;
	vm1 =	vgt.f32 v36, $-1.000000000e+04;
	[tilespmem:v24+s24+$0x0] =	vst.idx.msk $0xffff, v25;
	v24 =	vsub.f32 v32, v36  }
0x81: {  	v7 =	vadd.f32 v23, v7;
	v25 =	vmov s1;
	vm0 =	vmor vm1, vm0;
	v26 =	vld.idx.msk [tilespmem:v30+s20+$0x0], $0xffff  }
0x82: {  	v23 =	vshll.u32 v25, $0x9;
	v30 =	vld.idx.msk [tilespmem:v21+s20+$0x0], $0xffff;
	v21 =	vsel vm0, $0x3F800000, v2;
	vm0 =	vgt.f32 v37, $-1.000000000e+04  }
0x83: {  	v32 =	vshll.u32 v25, $0x7;
	v23 =	vand.u32 $0x1000, v23;
	v36 =	vld.idx.msk [tilespmem:v22+s22+$0x0], $0xffff;
	v22 =	vsub.f32 v28, v37  }
0x84: {  	vm1 =	vlt.f32 v37, $-1.000000000e+04;
	v23 =	vadd.s32 v14, v23;
	v28 =	vand.u32 $0x300, v32;
	v35 =	vld.idx.msk [tilespmem:v35+s19+$0x0], $0xffff  }
0x85: {  	v24 =	vand.u32 $0x7FFFFFFF, v24;
	v8 =	vadd.f32 v21, v8;
	v23 =	vor.u32 v28, v23;
	v28 =	vld.idx.msk [tilespmem:v38+s22+$0x0], $0xffff  }
0x86: {  	v37 =	vor.u32 v11, v23;
	v38 =	vadd.s32 v10, v32;
	v23 =	vmul.f32 v21, v24;
	v27 =	vld.idx.msk [tilespmem:v27+s17+$0x0], $0xffff  }
0x87: {  	vm0 =	vmor vm0, vm1;
	v21 =	vshll.u32 v25, $0xA;
	v22 =	vand.u32 $0x7FFFFFFF, v22  }
0x88: {  	v21 =	vadd.s32 v15, v21;
	v7 =	vadd.f32 v23, v7;
	v23 =	vsel vm0, $0x3F800000, v2  }
0x89: {  	vm0 =	vlt.f32 v36, $-1.000000000e+04;
	v24 =	vmul.f32 v23, v22;
	v8 =	vadd.f32 v23, v8  }
0x8a: {  	v22 =	vshll.u32 v25, $0x8;
	vm1 =	vgt.f32 v36, $-1.000000000e+04;
	v23 =	vsub.f32 v30, v36  }
0x8b: {  	vm2 =	vlt.f32 v28, $-1.000000000e+04;
	vm3 =	vgt.f32 v28, $-1.000000000e+04;
	v25 =	vsub.f32 v26, v28  }
0x8c: {  	vm2 =	vmor vm3, vm2;
	vm3 =	veq.s32 v35, $0x0;
	v26 =	vsub.f32 $1.000000000e+00, v27  }
.Ltmp2:
0x8d: {  	v7 =	vadd.f32 v24, v7;
	v28 =	vsel vm2, $0x3F800000, v2;
	v25 =	vand.u32 $0x7FFFFFFF, v25;
	(pc) =	sbr.rel @p1 .LBB2_3-.Ltmp2, $4  }
0x8e: {  	v30 =	vmul.f32 v28, v25;
	v8 =	vadd.f32 v28, v8;
	v25 =	vsel vm3, v26, v27  }
0x8f: {  	vm0 =	vmor vm1, vm0;
	v24 =	vor.u32 v9, v32;
	v27 =	vor.u32 v31, v29;
	[tilespmem:v34+s24+$0x0] =	vst.idx.msk $0xffff, v25  }
0x90: {  	v28 =	vshll.u32 v33, $0xA;
	v29 =	vshll.u32 v33, $0x8;
	v7 =	vadd.f32 v30, v7;
	v25 =	vld.idx.msk [tilespmem:v37+s17+$0x0], $0xffff  }
0x91: {  	v28 =	vadd.s32 v15, v28;
	v26 =	vld.idx.msk [tilespmem:v38+s19+$0x0], $0xffff  }
0x92: {  	_ =	sdelay $0x3  }
0x93: {  	v14 =	vld.idx.msk [tilespmem:v20+s20+$0x0], $0xffff;
	v15 =	vor.u32 v11, v27  }
0x94: {  	v48 =	vadd.s32 v10, v29;
	v30 =	vadd.s32 v10, v19;
	v17 =	vld.idx.msk [tilespmem:v17+s22+$0x0], $0xffff;
	v47 =	vsub.f32 $1.000000000e+00, v25  }
0x95: {  	v49 =	vor.u32 v28, v12;
	v50 =	vor.u32 v11, v21;
	v18 =	vld.idx.msk [tilespmem:v18+s22+$0x0], $0xffff;
	vm1 =	veq.s32 v26, $0x0  }
0x96: {  	v16 =	vld.idx.msk [tilespmem:v16+s20+$0x0], $0xffff;
	v51 =	vadd.s32 v29, v13;
	v9 =	vor.u32 v9, v19;
	v20 =	vsel vm1, v47, v25  }
0x97: {  	v10 =	vadd.s32 v10, v22;
	v11 =	vor.u32 v11, v28;
	[tilespmem:v24+s24+$0x0] =	vst.idx.msk $0xffff, v20  }
0x98: {  	v52 =	vadd.s32 v22, v13;
	v53 =	vor.u32 v21, v12;
	v54 =	vsel vm0, $0x3F800000, v2;
	v15 =	vld.idx.msk [tilespmem:v15+s17+$0x0], $0xffff  }
0x99: {  	v55 =	vand.u32 $0x7FFFFFFF, v23;
	v8 =	vadd.f32 v54, v8;
	vm4 =	vlt.f32 v17, $-1.000000000e+04;
	v56 =	vld.idx.msk [tilespmem:v30+s19+$0x0], $0xffff  }
0x9a: {  	vm5 =	vgt.f32 v17, $-1.000000000e+04;
	v14 =	vsub.f32 v14, v17;
	vm6 =	vgt.f32 v18, $-1.000000000e+04  }
0x9b: {  	v16 =	vsub.f32 v16, v18;
	v20 =	vmul.f32 v54, v55;
	vm0 =	vmor vm5, vm4;
	v57 =	vld.idx.msk [tilespmem:v50+s20+$0x0], $0xffff  }
0x9c: {  	vm7 =	vlt.f32 v18, $-1.000000000e+04;
	v58 =	vsel vm0, $0x3F800000, v2;
	v10 =	vld.idx.msk [tilespmem:v10+s22+$0x0], $0xffff;
	v14 =	vand.u32 $0x7FFFFFFF, v14  }
0x9d: {  	v13 =	vld.idx.msk [tilespmem:v52+s22+$0x0], $0xffff;
	vm0 =	vmor vm6, vm7;
	v7 =	vadd.f32 v20, v7;
	v59 =	vsub.f32 $1.000000000e+00, v15  }
0x9e: {  	v8 =	vadd.f32 v58, v8;
	v14 =	vmul.f32 v58, v14;
	vm8 =	veq.s32 v56, $0x0  }
0x9f: {  	v12 =	vld.idx.msk [tilespmem:v53+s20+$0x0], $0xffff;
	v60 =	vsel vm0, $0x3F800000, v2;
	v15 =	vsel vm8, v59, v15  }
0xa0: {  	v16 =	vand.u32 $0x7FFFFFFF, v16;
	v7 =	vadd.f32 v14, v7;
	v8 =	vadd.f32 v60, v8;
	[tilespmem:v9+s24+$0x0] =	vst.idx.msk $0xffff, v15  }
0xa1: {  	vm9 =	vlt.f32 v10, $-1.000000000e+04;
	vm10 =	vgt.f32 v10, $-1.000000000e+04;
	v10 =	vsub.f32 v57, v10;
	v15 =	vld.idx.msk [tilespmem:v48+s22+$0x0], $0xffff  }
0xa2: {  	vm2 =	vlt.f32 v13, $-1.000000000e+04;
	vm0 =	vmor vm10, vm9;
	v9 =	vmul.f32 v60, v16;
	v11 =	vld.idx.msk [tilespmem:v11+s20+$0x0], $0xffff  }
0xa3: {  	vm11 =	vgt.f32 v13, $-1.000000000e+04;
	v61 =	vsel vm0, $0x3F800000, v2;
	v10 =	vand.u32 $0x7FFFFFFF, v10;
	v62 =	vld.idx.msk [tilespmem:v49+s20+$0x0], $0xffff  }
0xa4: {  	v12 =	vsub.f32 v12, v13;
	v7 =	vadd.f32 v9, v7;
	v9 =	vmul.f32 v61, v10;
	v10 =	vld.idx.msk [tilespmem:v51+s22+$0x0], $0xffff  }
0xa5: {  	vm0 =	vmor vm11, vm2;
	v8 =	vadd.f32 v61, v8  }
0xa6: {  	v12 =	vand.u32 $0x7FFFFFFF, v12;
	v7 =	vadd.f32 v9, v7;
	v9 =	vsel vm0, $0x3F800000, v2  }
0xa7: {  	v12 =	vmul.f32 v9, v12;
	v8 =	vadd.f32 v9, v8  }
0xa8: {  	vm12 =	vlt.f32 v15, $-1.000000000e+04;
	vm13 =	vgt.f32 v15, $-1.000000000e+04;
	v11 =	vsub.f32 v11, v15  }
0xa9: {  	vm0 =	vmor vm13, vm12;
	vm14 =	vgt.f32 v10, $-1.000000000e+04;
	v13 =	vsub.f32 v62, v10  }
0xaa: {  	s3 =	sadd.s32 $0x1, s3;
	vm15 =	vlt.f32 v10, $-1.000000000e+04;
	v9 =	vsel vm0, $0x3F800000, v2;
	v10 =	vand.u32 $0x7FFFFFFF, v11  }
0xab: {  	p1 =	sne.s32 s3, $0x8;
	v7 =	vadd.f32 v12, v7;
	vm0 =	vmor vm14, vm15;
	v10 =	vmul.f32 v9, v10  }
.Ltmp3:
0xac: {  	v11 =	vand.u32 $0x7FFFFFFF, v13;
	v63 =	vsel vm0, $0x3F800000, v2;
	(pc) =	sbr.rel @p1 .LBB2_2-.Ltmp3, $3  }
0xad: {  	v8 =	vadd.f32 v9, v8;
	v9 =	vmul.f32 v63, v11;
	v7 =	vadd.f32 v10, v7;
	_ =	sdelay $0x1  }
0xae: {  	v7 =	vadd.f32 v9, v7  }
0xaf: {  	v8 =	vadd.f32 v63, v8  }
.Ltmp4:
0xb0: {  	(pc) =	sbr.rel @p0 .LBB2_9-.Ltmp4, $3  }
0xb1: {  	_ =	sdelay $0x1  }
0xb2: {  	[hbm4b:s11+s16] =	stream.strided.scatter [tilespmem:s24], [sflag:$0x2], $0x800, s18, s16, $0x38;
	[tilespmem:$0x9D00] =	vst v63  }
0xb3: {  	s0 =	simm.s32 $0x0  }
0xb4: {  	s1 =	sor.u32 s5, s0  }
0xb5: {  	v9 =	vor.u32 s1, v0;
	_ =	sdelay $0x4  }
0xb6: {  	v9 =	vld.idx.msk [tilespmem:v9+s4+$0x0], $0xffff;
	_ =	sdelay $0x4  }
0xb7: {  	v10 =	vshll.u32 v9, $0x3  }
0xb8: {  	v9 =	vand.u32 $0x7F, v9;
	v10 =	vand.u32 $0xFFFFFC00, v10  }
0xb9: {  	v9 =	vor.u32 v9, v10;
	_ =	sdelay $0x4  }
0xba: {  	v11 =	vor.u32 s0, v0;
	v10 =	vld.idx.msk [tilespmem:v9+s25+$0x0], $0xffff  }
0xbb: {  	v12 =	vor.u32 $0x80, v9;
	_ =	sdelay $0x3  }
0xbc: {  	[tilespmem:v11+s26+$0x0] =	vst.idx.msk $0xffff, v10  }
0xbd: {  	v11 =	vor.u32 s0, v3;
	v10 =	vld.idx.msk [tilespmem:v12+s25+$0x0], $0xffff  }
0xbe: {  	v62 =	vor.u32 $0x100, v9;
	_ =	sdelay $0x3  }
0xbf: {  	[tilespmem:v11+s26+$0x0] =	vst.idx.msk $0xffff, v10  }
0xc0: {  	v11 =	vor.u32 s0, v4;
	v10 =	vld.idx.msk [tilespmem:v62+s25+$0x0], $0xffff  }
0xc1: {  	v63 =	vor.u32 $0x180, v9;
	_ =	sdelay $0x3  }
0xc2: {  	[tilespmem:v11+s26+$0x0] =	vst.idx.msk $0xffff, v10  }
0xc3: {  	v11 =	vor.u32 s0, v5;
	v10 =	vld.idx.msk [tilespmem:v63+s25+$0x0], $0xffff  }
0xc4: {  	v9 =	vor.u32 $0x200, v9;
	_ =	sdelay $0x3  }
0xc5: {  	s2 =	simm.s32 $0x10;
	[tilespmem:v11+s26+$0x0] =	vst.idx.msk $0xffff, v10  }
0xc6: {  	s1 =	sor.u32 s5, s2;
	v11 =	vor.u32 s0, v6;
	v9 =	vld.idx.msk [tilespmem:v9+s25+$0x0], $0xffff  }
0xc7: {  	s3 =	simm.s32 $0x20;
	v10 =	vor.u32 s1, v0  }
.LBB2_7:
0xc8: {  	_ =	sdelay $0x2  }
0xc9: {  	p1 =	sne.s32 s3, $0x70;
	s0 =	smov.u32 s3;
	s3 =	sadd.s32 $0x10, s3;
	[tilespmem:v11+s26+$0x0] =	vst.idx.msk $0xffff, v9  }
0xca: {  	v9 =	vld.idx.msk [tilespmem:v10+s4+$0x0], $0xffff;
	_ =	sdelay $0x5  }
0xcb: {  	v10 =	vshll.u32 v9, $0x3  }
0xcc: {  	v9 =	vand.u32 $0x7F, v9;
	v10 =	vand.u32 $0xFFFFFC00, v10  }
0xcd: {  	v9 =	vor.u32 v9, v10;
	_ =	sdelay $0x4  }
0xce: {  	v10 =	vld.idx.msk [tilespmem:v9+s25+$0x0], $0xffff  }
0xcf: {  	v11 =	vor.u32 s2, v0  }
0xd0: {  	v12 =	vor.u32 $0x80, v9;
	_ =	sdelay $0x3  }
0xd1: {  	[tilespmem:v11+s26+$0x0] =	vst.idx.msk $0xffff, v10  }
0xd2: {  	v10 =	vld.idx.msk [tilespmem:v12+s25+$0x0], $0xffff  }
0xd3: {  	v11 =	vor.u32 s2, v3  }
0xd4: {  	v12 =	vor.u32 $0x100, v9;
	_ =	sdelay $0x3  }
0xd5: {  	[tilespmem:v11+s26+$0x0] =	vst.idx.msk $0xffff, v10  }
0xd6: {  	v10 =	vld.idx.msk [tilespmem:v12+s25+$0x0], $0xffff  }
0xd7: {  	v11 =	vor.u32 s2, v4  }
0xd8: {  	v12 =	vor.u32 $0x180, v9;
	_ =	sdelay $0x3  }
0xd9: {  	[tilespmem:v11+s26+$0x0] =	vst.idx.msk $0xffff, v10  }
0xda: {  	v10 =	vld.idx.msk [tilespmem:v12+s25+$0x0], $0xffff  }
0xdb: {  	v11 =	vor.u32 s2, v5  }
0xdc: {  	v9 =	vor.u32 $0x200, v9;
	_ =	sdelay $0x2  }
.Ltmp5:
0xdd: {  	(pc) =	sbr.rel @p1 .LBB2_7-.Ltmp5, $4  }
0xde: {  	[tilespmem:v11+s26+$0x0] =	vst.idx.msk $0xffff, v10  }
0xdf: {  	v9 =	vld.idx.msk [tilespmem:v9+s25+$0x0], $0xffff  }
0xe0: {  	s1 =	sor.u32 s5, s0;
	v11 =	vor.u32 s2, v6;
	s2 =	smov.u32 s0  }
0xe1: {  	v10 =	vor.u32 s1, v0  }
0xe2: {  	_ =	sdelay $0x3  }
0xe3: {  	[tilespmem:v11+s26+$0x0] =	vst.idx.msk $0xffff, v9  }
0xe4: {  	v9 =	vld.idx.msk [tilespmem:v10+s4+$0x0], $0xffff;
	_ =	sdelay $0x4  }
0xe5: {  	v10 =	vshll.u32 v9, $0x3  }
0xe6: {  	v9 =	vand.u32 $0x7F, v9;
	v10 =	vand.u32 $0xFFFFFC00, v10  }
0xe7: {  	v9 =	vor.u32 v9, v10;
	_ =	sdelay $0x4  }
0xe8: {  	v11 =	vor.u32 s2, v0;
	v10 =	vld.idx.msk [tilespmem:v9+s25+$0x0], $0xffff  }
0xe9: {  	v12 =	vor.u32 $0x80, v9;
	_ =	sdelay $0x3  }
0xea: {  	[tilespmem:v11+s26+$0x0] =	vst.idx.msk $0xffff, v10  }
0xeb: {  	v11 =	vor.u32 s2, v3;
	v10 =	vld.idx.msk [tilespmem:v12+s25+$0x0], $0xffff  }
0xec: {  	v62 =	vor.u32 $0x100, v9;
	_ =	sdelay $0x3  }
0xed: {  	[tilespmem:v11+s26+$0x0] =	vst.idx.msk $0xffff, v10  }
0xee: {  	v11 =	vor.u32 s2, v4;
	v10 =	vld.idx.msk [tilespmem:v62+s25+$0x0], $0xffff  }
0xef: {  	v63 =	vor.u32 $0x180, v9;
	_ =	sdelay $0x3  }
0xf0: {  	[tilespmem:v11+s26+$0x0] =	vst.idx.msk $0xffff, v10  }
0xf1: {  	v11 =	vor.u32 s2, v5;
	v10 =	vld.idx.msk [tilespmem:v63+s25+$0x0], $0xffff  }
0xf2: {  	v9 =	vor.u32 $0x200, v9;
	_ =	sdelay $0x3  }
0xf3: {  	[tilespmem:v11+s26+$0x0] =	vst.idx.msk $0xffff, v10  }
0xf4: {  	v10 =	vor.u32 s2, v6;
	v9 =	vld.idx.msk [tilespmem:v9+s25+$0x0], $0xffff;
	_ =	sdelay $0x4  }
0xf5: {  	[tilespmem:v10+s26+$0x0] =	vst.idx.msk $0xffff, v9  }
0xf6: {  	[hbm4b:s12+s16] =	stream.strided.scatter [tilespmem:s26], [sflag:$0x2], $0x0, s18, s16, $0x38;
	[tilespmem:$0x9D00] =	vst v63  }
.Ltmp6:
0xf7: {  	_ = 	snop;
	(pc) =	sbr.rel .LBB2_9-.Ltmp6, $4  }
0xf8: {  	[hbm4b:s12+s4] =	stream.linear.scatter [tilespmem:s26], [sflag:$0x2], $0x280, $0x38;
	[tilespmem:$0x9D00] =	vst v63  }
0xf9: {  	_ =	swait.ge [sflag:s28], $0x280  }
0xfa: {  	[sflag:s28] =	ssyncset.done $0x0  }
0xfb: {  	[sflag:s28] =	ssyncadd.s32 $0xFFFFFD80  }
.LBB2_10:
0xfc: {  	_ =	sfence.sel $0x180000  }
0xfd: {  	[bflag:$0x0] =	sbarrier.arrive $0xFFFF  }
0xfe: {  	_ =	strace $0x90000047  }
0xff: {  	s0 =	stileid.u32;
	[bflag:$0x2] =	sbarrier.arrive $0xFFFF  }
0x100: {  	p0 =	sne.s32 s0, $0x0;
	s0 =	rddreg [dreg:$0x8]  }
0x101: {  	s0 =	sadd.s32 @!p0 $0x100000, s0  }
0x102: {  	[sflag:s0] =	ssyncadd.tile.s32 @!p0 $0x1;
	_ =	shalt  }
.Lfunc_end2:
_tile_overlayer_lowered:
.L_overlay_start_2:
0x103: {  	(tag) =	ssettag $0x2  }
0x104: {  	s0 =	rddreg [dreg:$0x0];
	s2 =	stileid.u32  }
0x105: {  	s1 =	rddreg [dreg:$0x1];
	p0 =	sne.s32 s2, $0x0  }
0x106: {  	s3 =	rddreg [dreg:$0x2];
	[bflag:$0x3] =	sbarrier.arrive $0xFFFF;
	s2 =	simm.s32 @!p0 $0x1C03  }
0x107: {  	[timem:s3], [sflag:s2] =	dma.local @!p0 [hbm:s0], s1  }
0x108: {  	s0 =	simm.s32 @!p0 $0x3  }
0x109: {  	_ =	swait.ge @!p0 [sflag:s0], s1  }
0x10a: {  	s1 =	ssub.s32 @!p0 $0x0, s1;
	[sflag:s0] =	ssyncset.done @!p0 $0x0  }
0x10b: {  	[sflag:s0] =	ssyncadd.s32 @!p0 s1  }
0x10c: {  	[bflag:$0x3] =	sbarrier.arrive $0xFFFF  }
0x10d: {  	_ =	shalt  }

</sc_bundles>
